<compile_context>
chip_gen: v7x
topology: tpu7x:2x2x1
jax: 0.10.2.dev20260603
libtpu: 0.0.44.dev20260713+nightly
codegen_flags: <defaults>
</compile_context>

<pallas_src>
import functools

import jax
import jax.numpy as jnp
from jax import lax
from jax.experimental import pallas as pl
from jax.experimental.pallas import tpu as pltpu, tpu_sc as plsc

_D = 128
_C = 128
_NBUF = 7
_LOOK = 6


@functools.lru_cache(maxsize=None)
def _make_gather(total):
    info = plsc.get_sparse_core_info()
    nc, ns = info.num_cores, info.num_subcores
    nw = nc * ns
    b_per_w = total // nw
    n_chunks = b_per_w // _C
    pro = _NBUF - _LOOK
    assert n_chunks >= 2 * _NBUF
    mesh = plsc.VectorSubcoreMesh(core_axis_name="c", subcore_axis_name="s")

    @functools.partial(
        pl.kernel,
        mesh=mesh,
        out_type=jax.ShapeDtypeStruct((total, _D), jnp.float32),
        scratch_types=[
            pltpu.VMEM((n_chunks, _C), jnp.int32),
            pltpu.VMEM((_NBUF * _C, _D), jnp.float32),
            pltpu.SemaphoreType.DMA((_NBUF,)),
            pltpu.SemaphoreType.DMA((_NBUF,)),
        ],
    )
    def gather_kernel(idx_hbm, table_hbm, out_hbm, idx_v, ring_v, gsem, ssem):
        bufs = [ring_v.at[pl.ds(b * _C, _C)] for b in range(_NBUF)]
        wid = lax.axis_index("s") * nc + lax.axis_index("c")
        base = wid * b_per_w
        pltpu.sync_copy(idx_hbm.at[wid], idx_v)

        def start_gather(i, b):
            pltpu.async_copy(table_hbm.at[idx_v.at[i]], bufs[b], gsem.at[b])

        def wait_gather(b):
            pltpu.make_async_copy(
                table_hbm.at[pl.ds(0, _C)], bufs[b], gsem.at[b]).wait()

        def start_store(i, b):
            pltpu.async_copy(bufs[b], out_hbm.at[pl.ds(base + i * _C, _C)],
                             ssem.at[b])

        def wait_store(b):
            pltpu.make_async_copy(bufs[b], out_hbm.at[pl.ds(base, _C)],
                                  ssem.at[b]).wait()

        def step(i, b, store_wait=True, lookahead=True):
            wait_gather(b)
            start_store(i, b)
            if lookahead:
                nb = (b + _LOOK) % _NBUF
                if store_wait:
                    wait_store(nb)
                start_gather(i + _LOOK, nb)

        for b in range(_LOOK):
            start_gather(b, b)
        for i in range(pro):
            step(i, i % _NBUF, store_wait=False)

        n_main = (n_chunks - _LOOK - pro) // _NBUF

        def body(t, carry):
            for j in range(_NBUF):
                i = pro + _NBUF * t + j
                step(i, (pro + j) % _NBUF)
            return carry

        lax.fori_loop(0, n_main, body, 0)

        for i in range(pro + _NBUF * n_main, n_chunks):
            step(i, i % _NBUF,
                 store_wait=(i + _LOOK >= _NBUF),
                 lookahead=(i + _LOOK < n_chunks))
        for i in range(n_chunks - _NBUF, n_chunks):
            wait_store(i % _NBUF)

    return gather_kernel


@jax.jit
def kernel(x, embedding):
    b, s = x.shape
    total = b * s
    info = plsc.get_sparse_core_info()
    nw = info.num_cores * info.num_subcores
    flat = x.reshape(nw, total // (nw * _C), _C)
    out = _make_gather(total)(flat, embedding)
    return out.reshape(b, s, _D)

# --- scband reference (transcript-rebuilt; emitter-appended) ---
"""Pipeline reference for scband-token-embedding-8435315770022 (READ-ONLY COPY).

The authoritative reference and input builder live on the scoring server;
editing this copy changes nothing except your own understanding.
"""

import jax, jax.numpy as jnp
import numpy as np

NUM_TOKENS = 100000
EMBED_DIM = 128
BATCH = 1024
SEQ = 200

def setup_inputs(seed: int = 0) -> dict:
    key = jax.random.key(seed)
    k1, k2 = jax.random.split(key)
    x = jax.random.randint(k1, (BATCH, SEQ), 0, NUM_TOKENS, dtype=jnp.int32)
    embedding = jax.random.normal(k2, (NUM_TOKENS, EMBED_DIM), dtype=jnp.float32) * 0.02
    return {"x": x, "embedding": embedding}

def reference(x, embedding):
    # TokenEmbedding.forward: gather rows of the learned embedding table.
    # Dropout is identity in eval mode, so it is omitted from the reference math.
    out = jnp.take(embedding, x, axis=0)
    return out

if __name__ == "__main__":
    import jax
    _d = setup_inputs()
    print(jax.jit(kernel)(*tuple(_d.values())))

</pallas_src>

<mosaic_0001>
#map = affine_map<(d0, d1) -> (0, 0, 0)>
#map1 = affine_map<(d0, d1) -> (0, 0)>
module attributes {stable_mosaic.version = 14 : i64} {
  func.func @gather_kernel(%arg0: i32, %arg1: i32, %arg2: memref<32x50x128xi32, #tpu.memory_space<hbm>>, %arg3: memref<100000x128xf32, #tpu.memory_space<hbm>>, %arg4: memref<204800x128xf32, #tpu.memory_space<hbm>>, %arg5: memref<50x128xi32, #tpu.memory_space<vmem>>, %arg6: memref<896x128xf32, #tpu.memory_space<vmem>>, %arg7: memref<7x!tpu.dma_semaphore, #tpu.memory_space<semaphore_mem>>, %arg8: memref<7x!tpu.dma_semaphore, #tpu.memory_space<semaphore_mem>>) attributes {dimension_semantics = [#tpu.dimension_semantics<core_parallel>, #tpu.dimension_semantics<subcore_parallel>], iteration_bounds = array<i64: 2, 16>, scalar_prefetch = 0 : i64, scratch_operands = 4 : i64, tpu.core_type = #tpu.core_type<sc_vector_subcore>, window_params = [{transform_indices = #map}, {transform_indices = #map1}, {transform_indices = #map1}]} {
    %mul3A = arith.constant 2 : i32
    %mul3A_0 = arith.muli %arg1, %mul3A : i32
    %add3A = arith.addi %mul3A_0, %arg0 : i32
    %mul3A_1 = arith.constant 6400 : i32
    %mul3A_2 = arith.muli %add3A, %mul3A_1 : i32
    "tpu.region"() ({
      %run_scoped3A = tpu.sem_alloc : memref<!tpu.dma_semaphore, #tpu.memory_space<semaphore_mem>>
      %dma_start3A_454 = arith.constant 0 : i32
      %dma_start3A_455 = arith.constant 0 : i32
      %dma_start3A_456 = tpu.memref_slice %arg2[%add3A, %dma_start3A_454, %dma_start3A_455] : memref<32x50x128xi32, #tpu.memory_space<hbm>> -> memref<1x50x128xi32, #tpu.memory_space<hbm>>
      %dma_start3A_457 = tpu.memref_squeeze %dma_start3A_456 : memref<1x50x128xi32, #tpu.memory_space<hbm>> -> memref<50x128xi32, #tpu.memory_space<hbm>>
      %dma_start3A_458 = arith.constant 0 : i32
      %dma_start3A_459 = arith.constant 0 : i32
      %dma_start3A_460 = tpu.memref_slice %arg2[%add3A, %dma_start3A_458, %dma_start3A_459] : memref<32x50x128xi32, #tpu.memory_space<hbm>> -> memref<1x50x128xi32, #tpu.memory_space<hbm>>
      %dma_start3A_461 = tpu.memref_squeeze %dma_start3A_460 : memref<1x50x128xi32, #tpu.memory_space<hbm>> -> memref<50x128xi32, #tpu.memory_space<hbm>>
      tpu.enqueue_dma source(%dma_start3A_461 : memref<50x128xi32, #tpu.memory_space<hbm>>) target(%arg5 : memref<50x128xi32, #tpu.memory_space<vmem>>) target_semaphore(%run_scoped3A : memref<!tpu.dma_semaphore, #tpu.memory_space<semaphore_mem>>)
      %dma_wait3A_462 = arith.constant 0 : i32
      %dma_wait3A_463 = arith.constant 0 : i32
      %dma_wait3A_464 = tpu.memref_slice %arg2[%add3A, %dma_wait3A_462, %dma_wait3A_463] : memref<32x50x128xi32, #tpu.memory_space<hbm>> -> memref<1x50x128xi32, #tpu.memory_space<hbm>>
      %dma_wait3A_465 = tpu.memref_squeeze %dma_wait3A_464 : memref<1x50x128xi32, #tpu.memory_space<hbm>> -> memref<50x128xi32, #tpu.memory_space<hbm>>
      %dma_wait3A_466 = arith.constant 0 : i32
      %dma_wait3A_467 = arith.constant 0 : i32
      %dma_wait3A_468 = tpu.memref_slice %arg2[%add3A, %dma_wait3A_466, %dma_wait3A_467] : memref<32x50x128xi32, #tpu.memory_space<hbm>> -> memref<1x50x128xi32, #tpu.memory_space<hbm>>
      %dma_wait3A_469 = tpu.memref_squeeze %dma_wait3A_468 : memref<1x50x128xi32, #tpu.memory_space<hbm>> -> memref<50x128xi32, #tpu.memory_space<hbm>>
      tpu.wait_dma2 semaphore(%run_scoped3A : memref<!tpu.dma_semaphore, #tpu.memory_space<semaphore_mem>>) src(%dma_wait3A_469 : memref<50x128xi32, #tpu.memory_space<hbm>>) dst(%arg5 : memref<50x128xi32, #tpu.memory_space<vmem>>)
      tpu.yield
    }) : () -> ()
    %dma_start3A = arith.constant 0 : i32
    %dma_start3A_3 = arith.constant 0 : i32
    %dma_start3A_4 = arith.constant 0 : i32
    %dma_start3A_5 = arith.constant 0 : i32
    %dma_start3A_6 = tpu.memref_slice %arg6[%dma_start3A_4, %dma_start3A_5] : memref<896x128xf32, #tpu.memory_space<vmem>> -> memref<128x128xf32, #tpu.memory_space<vmem>>
    %dma_start3A_7 = arith.constant 0 : i32
    %dma_start3A_8 = tpu.memref_slice %arg5[%dma_start3A, %dma_start3A_7] : memref<50x128xi32, #tpu.memory_space<vmem>> -> memref<1x128xi32, #tpu.memory_space<vmem>>
    %dma_start3A_9 = tpu.memref_squeeze %dma_start3A_8 : memref<1x128xi32, #tpu.memory_space<vmem>> -> memref<128xi32, #tpu.memory_space<vmem>>
    %dma_start3A_10 = arith.constant 0 : i32
    %dma_start3A_11 = arith.constant 0 : i32
    %dma_start3A_12 = tpu.memref_slice %arg3[%dma_start3A_10, %dma_start3A_11] : memref<100000x128xf32, #tpu.memory_space<hbm>> -> memref<100000x128xf32, #tpu.memory_space<hbm>>
    %dma_start3A_13 = tpu.memref_slice %arg7[%dma_start3A_3] : memref<7x!tpu.dma_semaphore, #tpu.memory_space<semaphore_mem>> -> memref<1x!tpu.dma_semaphore, #tpu.memory_space<semaphore_mem>>
    %dma_start3A_14 = tpu.memref_squeeze %dma_start3A_13 : memref<1x!tpu.dma_semaphore, #tpu.memory_space<semaphore_mem>> -> memref<!tpu.dma_semaphore, #tpu.memory_space<semaphore_mem>>
    tpu.enqueue_indirect_dma source(%dma_start3A_12 : memref<100000x128xf32, #tpu.memory_space<hbm>>) target(%dma_start3A_6 : memref<128x128xf32, #tpu.memory_space<vmem>>) offsets(%dma_start3A_9 : memref<128xi32, #tpu.memory_space<vmem>>) semaphore(%dma_start3A_14 : memref<!tpu.dma_semaphore, #tpu.memory_space<semaphore_mem>>)
    %dma_start3A_15 = arith.constant 1 : i32
    %dma_start3A_16 = arith.constant 1 : i32
    %dma_start3A_17 = arith.constant 128 : i32
    %dma_start3A_18 = arith.constant 0 : i32
    %dma_start3A_19 = tpu.memref_slice %arg6[%dma_start3A_17, %dma_start3A_18] : memref<896x128xf32, #tpu.memory_space<vmem>> -> memref<128x128xf32, #tpu.memory_space<vmem>>
    %dma_start3A_20 = arith.constant 0 : i32
    %dma_start3A_21 = tpu.memref_slice %arg5[%dma_start3A_15, %dma_start3A_20] : memref<50x128xi32, #tpu.memory_space<vmem>> -> memref<1x128xi32, #tpu.memory_space<vmem>>
    %dma_start3A_22 = tpu.memref_squeeze %dma_start3A_21 : memref<1x128xi32, #tpu.memory_space<vmem>> -> memref<128xi32, #tpu.memory_space<vmem>>
    %dma_start3A_23 = arith.constant 0 : i32
    %dma_start3A_24 = arith.constant 0 : i32
    %dma_start3A_25 = tpu.memref_slice %arg3[%dma_start3A_23, %dma_start3A_24] : memref<100000x128xf32, #tpu.memory_space<hbm>> -> memref<100000x128xf32, #tpu.memory_space<hbm>>
    %dma_start3A_26 = tpu.memref_slice %arg7[%dma_start3A_16] : memref<7x!tpu.dma_semaphore, #tpu.memory_space<semaphore_mem>> -> memref<1x!tpu.dma_semaphore, #tpu.memory_space<semaphore_mem>>
    %dma_start3A_27 = tpu.memref_squeeze %dma_start3A_26 : memref<1x!tpu.dma_semaphore, #tpu.memory_space<semaphore_mem>> -> memref<!tpu.dma_semaphore, #tpu.memory_space<semaphore_mem>>
    tpu.enqueue_indirect_dma source(%dma_start3A_25 : memref<100000x128xf32, #tpu.memory_space<hbm>>) target(%dma_start3A_19 : memref<128x128xf32, #tpu.memory_space<vmem>>) offsets(%dma_start3A_22 : memref<128xi32, #tpu.memory_space<vmem>>) semaphore(%dma_start3A_27 : memref<!tpu.dma_semaphore, #tpu.memory_space<semaphore_mem>>)
    %dma_start3A_28 = arith.constant 2 : i32
    %dma_start3A_29 = arith.constant 2 : i32
    %dma_start3A_30 = arith.constant 256 : i32
    %dma_start3A_31 = arith.constant 0 : i32
    %dma_start3A_32 = tpu.memref_slice %arg6[%dma_start3A_30, %dma_start3A_31] : memref<896x128xf32, #tpu.memory_space<vmem>> -> memref<128x128xf32, #tpu.memory_space<vmem>>
    %dma_start3A_33 = arith.constant 0 : i32
    %dma_start3A_34 = tpu.memref_slice %arg5[%dma_start3A_28, %dma_start3A_33] : memref<50x128xi32, #tpu.memory_space<vmem>> -> memref<1x128xi32, #tpu.memory_space<vmem>>
    %dma_start3A_35 = tpu.memref_squeeze %dma_start3A_34 : memref<1x128xi32, #tpu.memory_space<vmem>> -> memref<128xi32, #tpu.memory_space<vmem>>
    %dma_start3A_36 = arith.constant 0 : i32
    %dma_start3A_37 = arith.constant 0 : i32
    %dma_start3A_38 = tpu.memref_slice %arg3[%dma_start3A_36, %dma_start3A_37] : memref<100000x128xf32, #tpu.memory_space<hbm>> -> memref<100000x128xf32, #tpu.memory_space<hbm>>
    %dma_start3A_39 = tpu.memref_slice %arg7[%dma_start3A_29] : memref<7x!tpu.dma_semaphore, #tpu.memory_space<semaphore_mem>> -> memref<1x!tpu.dma_semaphore, #tpu.memory_space<semaphore_mem>>
    %dma_start3A_40 = tpu.memref_squeeze %dma_start3A_39 : memref<1x!tpu.dma_semaphore, #tpu.memory_space<semaphore_mem>> -> memref<!tpu.dma_semaphore, #tpu.memory_space<semaphore_mem>>
    tpu.enqueue_indirect_dma source(%dma_start3A_38 : memref<100000x128xf32, #tpu.memory_space<hbm>>) target(%dma_start3A_32 : memref<128x128xf32, #tpu.memory_space<vmem>>) offsets(%dma_start3A_35 : memref<128xi32, #tpu.memory_space<vmem>>) semaphore(%dma_start3A_40 : memref<!tpu.dma_semaphore, #tpu.memory_space<semaphore_mem>>)
    %dma_start3A_41 = arith.constant 3 : i32
    %dma_start3A_42 = arith.constant 3 : i32
    %dma_start3A_43 = arith.constant 384 : i32
    %dma_start3A_44 = arith.constant 0 : i32
    %dma_start3A_45 = tpu.memref_slice %arg6[%dma_start3A_43, %dma_start3A_44] : memref<896x128xf32, #tpu.memory_space<vmem>> -> memref<128x128xf32, #tpu.memory_space<vmem>>
    %dma_start3A_46 = arith.constant 0 : i32
    %dma_start3A_47 = tpu.memref_slice %arg5[%dma_start3A_41, %dma_start3A_46] : memref<50x128xi32, #tpu.memory_space<vmem>> -> memref<1x128xi32, #tpu.memory_space<vmem>>
    %dma_start3A_48 = tpu.memref_squeeze %dma_start3A_47 : memref<1x128xi32, #tpu.memory_space<vmem>> -> memref<128xi32, #tpu.memory_space<vmem>>
    %dma_start3A_49 = arith.constant 0 : i32
    %dma_start3A_50 = arith.constant 0 : i32
    %dma_start3A_51 = tpu.memref_slice %arg3[%dma_start3A_49, %dma_start3A_50] : memref<100000x128xf32, #tpu.memory_space<hbm>> -> memref<100000x128xf32, #tpu.memory_space<hbm>>
    %dma_start3A_52 = tpu.memref_slice %arg7[%dma_start3A_42] : memref<7x!tpu.dma_semaphore, #tpu.memory_space<semaphore_mem>> -> memref<1x!tpu.dma_semaphore, #tpu.memory_space<semaphore_mem>>
    %dma_start3A_53 = tpu.memref_squeeze %dma_start3A_52 : memref<1x!tpu.dma_semaphore, #tpu.memory_space<semaphore_mem>> -> memref<!tpu.dma_semaphore, #tpu.memory_space<semaphore_mem>>
    tpu.enqueue_indirect_dma source(%dma_start3A_51 : memref<100000x128xf32, #tpu.memory_space<hbm>>) target(%dma_start3A_45 : memref<128x128xf32, #tpu.memory_space<vmem>>) offsets(%dma_start3A_48 : memref<128xi32, #tpu.memory_space<vmem>>) semaphore(%dma_start3A_53 : memref<!tpu.dma_semaphore, #tpu.memory_space<semaphore_mem>>)
    %dma_start3A_54 = arith.constant 4 : i32
    %dma_start3A_55 = arith.constant 4 : i32
    %dma_start3A_56 = arith.constant 512 : i32
    %dma_start3A_57 = arith.constant 0 : i32
    %dma_start3A_58 = tpu.memref_slice %arg6[%dma_start3A_56, %dma_start3A_57] : memref<896x128xf32, #tpu.memory_space<vmem>> -> memref<128x128xf32, #tpu.memory_space<vmem>>
    %dma_start3A_59 = arith.constant 0 : i32
    %dma_start3A_60 = tpu.memref_slice %arg5[%dma_start3A_54, %dma_start3A_59] : memref<50x128xi32, #tpu.memory_space<vmem>> -> memref<1x128xi32, #tpu.memory_space<vmem>>
    %dma_start3A_61 = tpu.memref_squeeze %dma_start3A_60 : memref<1x128xi32, #tpu.memory_space<vmem>> -> memref<128xi32, #tpu.memory_space<vmem>>
    %dma_start3A_62 = arith.constant 0 : i32
    %dma_start3A_63 = arith.constant 0 : i32
    %dma_start3A_64 = tpu.memref_slice %arg3[%dma_start3A_62, %dma_start3A_63] : memref<100000x128xf32, #tpu.memory_space<hbm>> -> memref<100000x128xf32, #tpu.memory_space<hbm>>
    %dma_start3A_65 = tpu.memref_slice %arg7[%dma_start3A_55] : memref<7x!tpu.dma_semaphore, #tpu.memory_space<semaphore_mem>> -> memref<1x!tpu.dma_semaphore, #tpu.memory_space<semaphore_mem>>
    %dma_start3A_66 = tpu.memref_squeeze %dma_start3A_65 : memref<1x!tpu.dma_semaphore, #tpu.memory_space<semaphore_mem>> -> memref<!tpu.dma_semaphore, #tpu.memory_space<semaphore_mem>>
    tpu.enqueue_indirect_dma source(%dma_start3A_64 : memref<100000x128xf32, #tpu.memory_space<hbm>>) target(%dma_start3A_58 : memref<128x128xf32, #tpu.memory_space<vmem>>) offsets(%dma_start3A_61 : memref<128xi32, #tpu.memory_space<vmem>>) semaphore(%dma_start3A_66 : memref<!tpu.dma_semaphore, #tpu.memory_space<semaphore_mem>>)
    %dma_start3A_67 = arith.constant 5 : i32
    %dma_start3A_68 = arith.constant 5 : i32
    %dma_start3A_69 = arith.constant 640 : i32
    %dma_start3A_70 = arith.constant 0 : i32
    %dma_start3A_71 = tpu.memref_slice %arg6[%dma_start3A_69, %dma_start3A_70] : memref<896x128xf32, #tpu.memory_space<vmem>> -> memref<128x128xf32, #tpu.memory_space<vmem>>
    %dma_start3A_72 = arith.constant 0 : i32
    %dma_start3A_73 = tpu.memref_slice %arg5[%dma_start3A_67, %dma_start3A_72] : memref<50x128xi32, #tpu.memory_space<vmem>> -> memref<1x128xi32, #tpu.memory_space<vmem>>
    %dma_start3A_74 = tpu.memref_squeeze %dma_start3A_73 : memref<1x128xi32, #tpu.memory_space<vmem>> -> memref<128xi32, #tpu.memory_space<vmem>>
    %dma_start3A_75 = arith.constant 0 : i32
    %dma_start3A_76 = arith.constant 0 : i32
    %dma_start3A_77 = tpu.memref_slice %arg3[%dma_start3A_75, %dma_start3A_76] : memref<100000x128xf32, #tpu.memory_space<hbm>> -> memref<100000x128xf32, #tpu.memory_space<hbm>>
    %dma_start3A_78 = tpu.memref_slice %arg7[%dma_start3A_68] : memref<7x!tpu.dma_semaphore, #tpu.memory_space<semaphore_mem>> -> memref<1x!tpu.dma_semaphore, #tpu.memory_space<semaphore_mem>>
    %dma_start3A_79 = tpu.memref_squeeze %dma_start3A_78 : memref<1x!tpu.dma_semaphore, #tpu.memory_space<semaphore_mem>> -> memref<!tpu.dma_semaphore, #tpu.memory_space<semaphore_mem>>
    tpu.enqueue_indirect_dma source(%dma_start3A_77 : memref<100000x128xf32, #tpu.memory_space<hbm>>) target(%dma_start3A_71 : memref<128x128xf32, #tpu.memory_space<vmem>>) offsets(%dma_start3A_74 : memref<128xi32, #tpu.memory_space<vmem>>) semaphore(%dma_start3A_79 : memref<!tpu.dma_semaphore, #tpu.memory_space<semaphore_mem>>)
    %dma_wait3A = arith.constant 0 : i32
    %dma_wait3A_80 = arith.constant 0 : i32
    %dma_wait3A_81 = arith.constant 0 : i32
    %dma_wait3A_82 = tpu.memref_slice %arg6[%dma_wait3A_80, %dma_wait3A_81] : memref<896x128xf32, #tpu.memory_space<vmem>> -> memref<128x128xf32, #tpu.memory_space<vmem>>
    %dma_wait3A_83 = arith.constant 0 : i32
    %dma_wait3A_84 = arith.constant 0 : i32
    %dma_wait3A_85 = tpu.memref_slice %arg3[%dma_wait3A_83, %dma_wait3A_84] : memref<100000x128xf32, #tpu.memory_space<hbm>> -> memref<128x128xf32, #tpu.memory_space<hbm>>
    %dma_wait3A_86 = tpu.memref_slice %arg7[%dma_wait3A] : memref<7x!tpu.dma_semaphore, #tpu.memory_space<semaphore_mem>> -> memref<1x!tpu.dma_semaphore, #tpu.memory_space<semaphore_mem>>
    %dma_wait3A_87 = tpu.memref_squeeze %dma_wait3A_86 : memref<1x!tpu.dma_semaphore, #tpu.memory_space<semaphore_mem>> -> memref<!tpu.dma_semaphore, #tpu.memory_space<semaphore_mem>>
    %dma_wait3A_88 = arith.constant 0 : i32
    %dma_wait3A_89 = arith.constant 0 : i32
    %dma_wait3A_90 = tpu.memref_slice %arg6[%dma_wait3A_88, %dma_wait3A_89] : memref<896x128xf32, #tpu.memory_space<vmem>> -> memref<128x128xf32, #tpu.memory_space<vmem>>
    %dma_wait3A_91 = arith.constant 0 : i32
    %dma_wait3A_92 = arith.constant 0 : i32
    %dma_wait3A_93 = tpu.memref_slice %arg3[%dma_wait3A_91, %dma_wait3A_92] : memref<100000x128xf32, #tpu.memory_space<hbm>> -> memref<128x128xf32, #tpu.memory_space<hbm>>
    tpu.wait_dma2 semaphore(%dma_wait3A_87 : memref<!tpu.dma_semaphore, #tpu.memory_space<semaphore_mem>>) src(%dma_wait3A_93 : memref<128x128xf32, #tpu.memory_space<hbm>>) dst(%dma_wait3A_90 : memref<128x128xf32, #tpu.memory_space<vmem>>)
    %add3A_94 = arith.constant 0 : i32
    %add3A_95 = arith.addi %mul3A_2, %add3A_94 : i32
    %dma_start3A_96 = arith.constant 0 : i32
    %dma_start3A_97 = arith.constant 0 : i32
    %dma_start3A_98 = arith.constant 0 : i32
    %dma_start3A_99 = tpu.memref_slice %arg6[%dma_start3A_97, %dma_start3A_98] : memref<896x128xf32, #tpu.memory_space<vmem>> -> memref<128x128xf32, #tpu.memory_space<vmem>>
    %dma_start3A_100 = arith.constant 0 : i32
    %dma_start3A_101 = tpu.memref_slice %arg4[%add3A_95, %dma_start3A_100] : memref<204800x128xf32, #tpu.memory_space<hbm>> -> memref<128x128xf32, #tpu.memory_space<hbm>>
    %dma_start3A_102 = tpu.memref_slice %arg8[%dma_start3A_96] : memref<7x!tpu.dma_semaphore, #tpu.memory_space<semaphore_mem>> -> memref<1x!tpu.dma_semaphore, #tpu.memory_space<semaphore_mem>>
    %dma_start3A_103 = tpu.memref_squeeze %dma_start3A_102 : memref<1x!tpu.dma_semaphore, #tpu.memory_space<semaphore_mem>> -> memref<!tpu.dma_semaphore, #tpu.memory_space<semaphore_mem>>
    %dma_start3A_104 = arith.constant 0 : i32
    %dma_start3A_105 = tpu.memref_slice %arg4[%add3A_95, %dma_start3A_104] : memref<204800x128xf32, #tpu.memory_space<hbm>> -> memref<128x128xf32, #tpu.memory_space<hbm>>
    %dma_start3A_106 = arith.constant 0 : i32
    %dma_start3A_107 = arith.constant 0 : i32
    %dma_start3A_108 = tpu.memref_slice %arg6[%dma_start3A_106, %dma_start3A_107] : memref<896x128xf32, #tpu.memory_space<vmem>> -> memref<128x128xf32, #tpu.memory_space<vmem>>
    tpu.enqueue_dma source(%dma_start3A_108 : memref<128x128xf32, #tpu.memory_space<vmem>>) target(%dma_start3A_105 : memref<128x128xf32, #tpu.memory_space<hbm>>) target_semaphore(%dma_start3A_103 : memref<!tpu.dma_semaphore, #tpu.memory_space<semaphore_mem>>)
    %dma_start3A_109 = arith.constant 6 : i32
    %dma_start3A_110 = arith.constant 6 : i32
    %dma_start3A_111 = arith.constant 768 : i32
    %dma_start3A_112 = arith.constant 0 : i32
    %dma_start3A_113 = tpu.memref_slice %arg6[%dma_start3A_111, %dma_start3A_112] : memref<896x128xf32, #tpu.memory_space<vmem>> -> memref<128x128xf32, #tpu.memory_space<vmem>>
    %dma_start3A_114 = arith.constant 0 : i32
    %dma_start3A_115 = tpu.memref_slice %arg5[%dma_start3A_109, %dma_start3A_114] : memref<50x128xi32, #tpu.memory_space<vmem>> -> memref<1x128xi32, #tpu.memory_space<vmem>>
    %dma_start3A_116 = tpu.memref_squeeze %dma_start3A_115 : memref<1x128xi32, #tpu.memory_space<vmem>> -> memref<128xi32, #tpu.memory_space<vmem>>
    %dma_start3A_117 = arith.constant 0 : i32
    %dma_start3A_118 = arith.constant 0 : i32
    %dma_start3A_119 = tpu.memref_slice %arg3[%dma_start3A_117, %dma_start3A_118] : memref<100000x128xf32, #tpu.memory_space<hbm>> -> memref<100000x128xf32, #tpu.memory_space<hbm>>
    %dma_start3A_120 = tpu.memref_slice %arg7[%dma_start3A_110] : memref<7x!tpu.dma_semaphore, #tpu.memory_space<semaphore_mem>> -> memref<1x!tpu.dma_semaphore, #tpu.memory_space<semaphore_mem>>
    %dma_start3A_121 = tpu.memref_squeeze %dma_start3A_120 : memref<1x!tpu.dma_semaphore, #tpu.memory_space<semaphore_mem>> -> memref<!tpu.dma_semaphore, #tpu.memory_space<semaphore_mem>>
    tpu.enqueue_indirect_dma source(%dma_start3A_119 : memref<100000x128xf32, #tpu.memory_space<hbm>>) target(%dma_start3A_113 : memref<128x128xf32, #tpu.memory_space<vmem>>) offsets(%dma_start3A_116 : memref<128xi32, #tpu.memory_space<vmem>>) semaphore(%dma_start3A_121 : memref<!tpu.dma_semaphore, #tpu.memory_space<semaphore_mem>>)
    %scan3A = arith.constant 0 : i32
    %scan3A_122 = arith.constant 0 : i32
    %scan3A_123 = arith.constant 6 : i32
    %scan3A_124 = arith.addi %scan3A_122, %scan3A_123 : i32
    %scan3A_125 = arith.constant 1 : i32
    scf.for %scan3A_454 = %scan3A_122 to %scan3A_124 step %scan3A_125  : i32 {
      %mul3A_455 = arith.constant 7 : i32
      %mul3A_456 = arith.muli %mul3A_455, %scan3A_454 : i32
      %add3A_457 = arith.constant 1 : i32
      %add3A_458 = arith.addi %add3A_457, %mul3A_456 : i32
      %add3A_459 = arith.constant 0 : i32
      %add3A_460 = arith.addi %add3A_458, %add3A_459 : i32
      %dma_wait3A_461 = arith.constant 1 : i32
      %dma_wait3A_462 = arith.constant 128 : i32
      %dma_wait3A_463 = arith.constant 0 : i32
      %dma_wait3A_464 = tpu.memref_slice %arg6[%dma_wait3A_462, %dma_wait3A_463] : memref<896x128xf32, #tpu.memory_space<vmem>> -> memref<128x128xf32, #tpu.memory_space<vmem>>
      %dma_wait3A_465 = arith.constant 0 : i32
      %dma_wait3A_466 = arith.constant 0 : i32
      %dma_wait3A_467 = tpu.memref_slice %arg3[%dma_wait3A_465, %dma_wait3A_466] : memref<100000x128xf32, #tpu.memory_space<hbm>> -> memref<128x128xf32, #tpu.memory_space<hbm>>
      %dma_wait3A_468 = tpu.memref_slice %arg7[%dma_wait3A_461] : memref<7x!tpu.dma_semaphore, #tpu.memory_space<semaphore_mem>> -> memref<1x!tpu.dma_semaphore, #tpu.memory_space<semaphore_mem>>
      %dma_wait3A_469 = tpu.memref_squeeze %dma_wait3A_468 : memref<1x!tpu.dma_semaphore, #tpu.memory_space<semaphore_mem>> -> memref<!tpu.dma_semaphore, #tpu.memory_space<semaphore_mem>>
      %dma_wait3A_470 = arith.constant 128 : i32
      %dma_wait3A_471 = arith.constant 0 : i32
      %dma_wait3A_472 = tpu.memref_slice %arg6[%dma_wait3A_470, %dma_wait3A_471] : memref<896x128xf32, #tpu.memory_space<vmem>> -> memref<128x128xf32, #tpu.memory_space<vmem>>
      %dma_wait3A_473 = arith.constant 0 : i32
      %dma_wait3A_474 = arith.constant 0 : i32
      %dma_wait3A_475 = tpu.memref_slice %arg3[%dma_wait3A_473, %dma_wait3A_474] : memref<100000x128xf32, #tpu.memory_space<hbm>> -> memref<128x128xf32, #tpu.memory_space<hbm>>
      tpu.wait_dma2 semaphore(%dma_wait3A_469 : memref<!tpu.dma_semaphore, #tpu.memory_space<semaphore_mem>>) src(%dma_wait3A_475 : memref<128x128xf32, #tpu.memory_space<hbm>>) dst(%dma_wait3A_472 : memref<128x128xf32, #tpu.memory_space<vmem>>)
      %mul3A_476 = arith.constant 128 : i32
      %mul3A_477 = arith.muli %add3A_460, %mul3A_476 : i32
      %add3A_478 = arith.addi %mul3A_2, %mul3A_477 : i32
      %dma_start3A_479 = arith.constant 1 : i32
      %dma_start3A_480 = arith.constant 128 : i32
      %dma_start3A_481 = arith.constant 0 : i32
      %dma_start3A_482 = tpu.memref_slice %arg6[%dma_start3A_480, %dma_start3A_481] : memref<896x128xf32, #tpu.memory_space<vmem>> -> memref<128x128xf32, #tpu.memory_space<vmem>>
      %dma_start3A_483 = arith.constant 0 : i32
      %dma_start3A_484 = tpu.memref_slice %arg4[%add3A_478, %dma_start3A_483] : memref<204800x128xf32, #tpu.memory_space<hbm>> -> memref<128x128xf32, #tpu.memory_space<hbm>>
      %dma_start3A_485 = tpu.memref_slice %arg8[%dma_start3A_479] : memref<7x!tpu.dma_semaphore, #tpu.memory_space<semaphore_mem>> -> memref<1x!tpu.dma_semaphore, #tpu.memory_space<semaphore_mem>>
      %dma_start3A_486 = tpu.memref_squeeze %dma_start3A_485 : memref<1x!tpu.dma_semaphore, #tpu.memory_space<semaphore_mem>> -> memref<!tpu.dma_semaphore, #tpu.memory_space<semaphore_mem>>
      %dma_start3A_487 = arith.constant 0 : i32
      %dma_start3A_488 = tpu.memref_slice %arg4[%add3A_478, %dma_start3A_487] : memref<204800x128xf32, #tpu.memory_space<hbm>> -> memref<128x128xf32, #tpu.memory_space<hbm>>
      %dma_start3A_489 = arith.constant 128 : i32
      %dma_start3A_490 = arith.constant 0 : i32
      %dma_start3A_491 = tpu.memref_slice %arg6[%dma_start3A_489, %dma_start3A_490] : memref<896x128xf32, #tpu.memory_space<vmem>> -> memref<128x128xf32, #tpu.memory_space<vmem>>
      tpu.enqueue_dma source(%dma_start3A_491 : memref<128x128xf32, #tpu.memory_space<vmem>>) target(%dma_start3A_488 : memref<128x128xf32, #tpu.memory_space<hbm>>) target_semaphore(%dma_start3A_486 : memref<!tpu.dma_semaphore, #tpu.memory_space<semaphore_mem>>)
      %dma_wait3A_492 = arith.constant 0 : i32
      %dma_wait3A_493 = arith.constant 0 : i32
      %dma_wait3A_494 = arith.constant 0 : i32
      %dma_wait3A_495 = tpu.memref_slice %arg6[%dma_wait3A_493, %dma_wait3A_494] : memref<896x128xf32, #tpu.memory_space<vmem>> -> memref<128x128xf32, #tpu.memory_space<vmem>>
      %dma_wait3A_496 = arith.constant 0 : i32
      %dma_wait3A_497 = tpu.memref_slice %arg4[%mul3A_2, %dma_wait3A_496] : memref<204800x128xf32, #tpu.memory_space<hbm>> -> memref<128x128xf32, #tpu.memory_space<hbm>>
      %dma_wait3A_498 = tpu.memref_slice %arg8[%dma_wait3A_492] : memref<7x!tpu.dma_semaphore, #tpu.memory_space<semaphore_mem>> -> memref<1x!tpu.dma_semaphore, #tpu.memory_space<semaphore_mem>>
      %dma_wait3A_499 = tpu.memref_squeeze %dma_wait3A_498 : memref<1x!tpu.dma_semaphore, #tpu.memory_space<semaphore_mem>> -> memref<!tpu.dma_semaphore, #tpu.memory_space<semaphore_mem>>
      %dma_wait3A_500 = arith.constant 0 : i32
      %dma_wait3A_501 = tpu.memref_slice %arg4[%mul3A_2, %dma_wait3A_500] : memref<204800x128xf32, #tpu.memory_space<hbm>> -> memref<128x128xf32, #tpu.memory_space<hbm>>
      %dma_wait3A_502 = arith.constant 0 : i32
      %dma_wait3A_503 = arith.constant 0 : i32
      %dma_wait3A_504 = tpu.memref_slice %arg6[%dma_wait3A_502, %dma_wait3A_503] : memref<896x128xf32, #tpu.memory_space<vmem>> -> memref<128x128xf32, #tpu.memory_space<vmem>>
      tpu.wait_dma2 semaphore(%dma_wait3A_499 : memref<!tpu.dma_semaphore, #tpu.memory_space<semaphore_mem>>) src(%dma_wait3A_504 : memref<128x128xf32, #tpu.memory_space<vmem>>) dst(%dma_wait3A_501 : memref<128x128xf32, #tpu.memory_space<hbm>>)
      %add3A_505 = arith.constant 6 : i32
      %add3A_506 = arith.addi %add3A_460, %add3A_505 : i32
      %dma_start3A_507 = arith.constant 0 : i32
      %dma_start3A_508 = arith.constant 0 : i32
      %dma_start3A_509 = arith.constant 0 : i32
      %dma_start3A_510 = tpu.memref_slice %arg6[%dma_start3A_508, %dma_start3A_509] : memref<896x128xf32, #tpu.memory_space<vmem>> -> memref<128x128xf32, #tpu.memory_space<vmem>>
      %dma_start3A_511 = arith.constant 0 : i32
      %dma_start3A_512 = tpu.memref_slice %arg5[%add3A_506, %dma_start3A_511] : memref<50x128xi32, #tpu.memory_space<vmem>> -> memref<1x128xi32, #tpu.memory_space<vmem>>
      %dma_start3A_513 = tpu.memref_squeeze %dma_start3A_512 : memref<1x128xi32, #tpu.memory_space<vmem>> -> memref<128xi32, #tpu.memory_space<vmem>>
      %dma_start3A_514 = arith.constant 0 : i32
      %dma_start3A_515 = arith.constant 0 : i32
      %dma_start3A_516 = tpu.memref_slice %arg3[%dma_start3A_514, %dma_start3A_515] : memref<100000x128xf32, #tpu.memory_space<hbm>> -> memref<100000x128xf32, #tpu.memory_space<hbm>>
      %dma_start3A_517 = tpu.memref_slice %arg7[%dma_start3A_507] : memref<7x!tpu.dma_semaphore, #tpu.memory_space<semaphore_mem>> -> memref<1x!tpu.dma_semaphore, #tpu.memory_space<semaphore_mem>>
      %dma_start3A_518 = tpu.memref_squeeze %dma_start3A_517 : memref<1x!tpu.dma_semaphore, #tpu.memory_space<semaphore_mem>> -> memref<!tpu.dma_semaphore, #tpu.memory_space<semaphore_mem>>
      tpu.enqueue_indirect_dma source(%dma_start3A_516 : memref<100000x128xf32, #tpu.memory_space<hbm>>) target(%dma_start3A_510 : memref<128x128xf32, #tpu.memory_space<vmem>>) offsets(%dma_start3A_513 : memref<128xi32, #tpu.memory_space<vmem>>) semaphore(%dma_start3A_518 : memref<!tpu.dma_semaphore, #tpu.memory_space<semaphore_mem>>)
      %mul3A_519 = arith.constant 7 : i32
      %mul3A_520 = arith.muli %mul3A_519, %scan3A_454 : i32
      %add3A_521 = arith.constant 1 : i32
      %add3A_522 = arith.addi %add3A_521, %mul3A_520 : i32
      %add3A_523 = arith.constant 1 : i32
      %add3A_524 = arith.addi %add3A_522, %add3A_523 : i32
      %dma_wait3A_525 = arith.constant 2 : i32
      %dma_wait3A_526 = arith.constant 256 : i32
      %dma_wait3A_527 = arith.constant 0 : i32
      %dma_wait3A_528 = tpu.memref_slice %arg6[%dma_wait3A_526, %dma_wait3A_527] : memref<896x128xf32, #tpu.memory_space<vmem>> -> memref<128x128xf32, #tpu.memory_space<vmem>>
      %dma_wait3A_529 = arith.constant 0 : i32
      %dma_wait3A_530 = arith.constant 0 : i32
      %dma_wait3A_531 = tpu.memref_slice %arg3[%dma_wait3A_529, %dma_wait3A_530] : memref<100000x128xf32, #tpu.memory_space<hbm>> -> memref<128x128xf32, #tpu.memory_space<hbm>>
      %dma_wait3A_532 = tpu.memref_slice %arg7[%dma_wait3A_525] : memref<7x!tpu.dma_semaphore, #tpu.memory_space<semaphore_mem>> -> memref<1x!tpu.dma_semaphore, #tpu.memory_space<semaphore_mem>>
      %dma_wait3A_533 = tpu.memref_squeeze %dma_wait3A_532 : memref<1x!tpu.dma_semaphore, #tpu.memory_space<semaphore_mem>> -> memref<!tpu.dma_semaphore, #tpu.memory_space<semaphore_mem>>
      %dma_wait3A_534 = arith.constant 256 : i32
      %dma_wait3A_535 = arith.constant 0 : i32
      %dma_wait3A_536 = tpu.memref_slice %arg6[%dma_wait3A_534, %dma_wait3A_535] : memref<896x128xf32, #tpu.memory_space<vmem>> -> memref<128x128xf32, #tpu.memory_space<vmem>>
      %dma_wait3A_537 = arith.constant 0 : i32
      %dma_wait3A_538 = arith.constant 0 : i32
      %dma_wait3A_539 = tpu.memref_slice %arg3[%dma_wait3A_537, %dma_wait3A_538] : memref<100000x128xf32, #tpu.memory_space<hbm>> -> memref<128x128xf32, #tpu.memory_space<hbm>>
      tpu.wait_dma2 semaphore(%dma_wait3A_533 : memref<!tpu.dma_semaphore, #tpu.memory_space<semaphore_mem>>) src(%dma_wait3A_539 : memref<128x128xf32, #tpu.memory_space<hbm>>) dst(%dma_wait3A_536 : memref<128x128xf32, #tpu.memory_space<vmem>>)
      %mul3A_540 = arith.constant 128 : i32
      %mul3A_541 = arith.muli %add3A_524, %mul3A_540 : i32
      %add3A_542 = arith.addi %mul3A_2, %mul3A_541 : i32
      %dma_start3A_543 = arith.constant 2 : i32
      %dma_start3A_544 = arith.constant 256 : i32
      %dma_start3A_545 = arith.constant 0 : i32
      %dma_start3A_546 = tpu.memref_slice %arg6[%dma_start3A_544, %dma_start3A_545] : memref<896x128xf32, #tpu.memory_space<vmem>> -> memref<128x128xf32, #tpu.memory_space<vmem>>
      %dma_start3A_547 = arith.constant 0 : i32
      %dma_start3A_548 = tpu.memref_slice %arg4[%add3A_542, %dma_start3A_547] : memref<204800x128xf32, #tpu.memory_space<hbm>> -> memref<128x128xf32, #tpu.memory_space<hbm>>
      %dma_start3A_549 = tpu.memref_slice %arg8[%dma_start3A_543] : memref<7x!tpu.dma_semaphore, #tpu.memory_space<semaphore_mem>> -> memref<1x!tpu.dma_semaphore, #tpu.memory_space<semaphore_mem>>
      %dma_start3A_550 = tpu.memref_squeeze %dma_start3A_549 : memref<1x!tpu.dma_semaphore, #tpu.memory_space<semaphore_mem>> -> memref<!tpu.dma_semaphore, #tpu.memory_space<semaphore_mem>>
      %dma_start3A_551 = arith.constant 0 : i32
      %dma_start3A_552 = tpu.memref_slice %arg4[%add3A_542, %dma_start3A_551] : memref<204800x128xf32, #tpu.memory_space<hbm>> -> memref<128x128xf32, #tpu.memory_space<hbm>>
      %dma_start3A_553 = arith.constant 256 : i32
      %dma_start3A_554 = arith.constant 0 : i32
      %dma_start3A_555 = tpu.memref_slice %arg6[%dma_start3A_553, %dma_start3A_554] : memref<896x128xf32, #tpu.memory_space<vmem>> -> memref<128x128xf32, #tpu.memory_space<vmem>>
      tpu.enqueue_dma source(%dma_start3A_555 : memref<128x128xf32, #tpu.memory_space<vmem>>) target(%dma_start3A_552 : memref<128x128xf32, #tpu.memory_space<hbm>>) target_semaphore(%dma_start3A_550 : memref<!tpu.dma_semaphore, #tpu.memory_space<semaphore_mem>>)
      %dma_wait3A_556 = arith.constant 1 : i32
      %dma_wait3A_557 = arith.constant 128 : i32
      %dma_wait3A_558 = arith.constant 0 : i32
      %dma_wait3A_559 = tpu.memref_slice %arg6[%dma_wait3A_557, %dma_wait3A_558] : memref<896x128xf32, #tpu.memory_space<vmem>> -> memref<128x128xf32, #tpu.memory_space<vmem>>
      %dma_wait3A_560 = arith.constant 0 : i32
      %dma_wait3A_561 = tpu.memref_slice %arg4[%mul3A_2, %dma_wait3A_560] : memref<204800x128xf32, #tpu.memory_space<hbm>> -> memref<128x128xf32, #tpu.memory_space<hbm>>
      %dma_wait3A_562 = tpu.memref_slice %arg8[%dma_wait3A_556] : memref<7x!tpu.dma_semaphore, #tpu.memory_space<semaphore_mem>> -> memref<1x!tpu.dma_semaphore, #tpu.memory_space<semaphore_mem>>
      %dma_wait3A_563 = tpu.memref_squeeze %dma_wait3A_562 : memref<1x!tpu.dma_semaphore, #tpu.memory_space<semaphore_mem>> -> memref<!tpu.dma_semaphore, #tpu.memory_space<semaphore_mem>>
      %dma_wait3A_564 = arith.constant 0 : i32
      %dma_wait3A_565 = tpu.memref_slice %arg4[%mul3A_2, %dma_wait3A_564] : memref<204800x128xf32, #tpu.memory_space<hbm>> -> memref<128x128xf32, #tpu.memory_space<hbm>>
      %dma_wait3A_566 = arith.constant 128 : i32
      %dma_wait3A_567 = arith.constant 0 : i32
      %dma_wait3A_568 = tpu.memref_slice %arg6[%dma_wait3A_566, %dma_wait3A_567] : memref<896x128xf32, #tpu.memory_space<vmem>> -> memref<128x128xf32, #tpu.memory_space<vmem>>
      tpu.wait_dma2 semaphore(%dma_wait3A_563 : memref<!tpu.dma_semaphore, #tpu.memory_space<semaphore_mem>>) src(%dma_wait3A_568 : memref<128x128xf32, #tpu.memory_space<vmem>>) dst(%dma_wait3A_565 : memref<128x128xf32, #tpu.memory_space<hbm>>)
      %add3A_569 = arith.constant 6 : i32
      %add3A_570 = arith.addi %add3A_524, %add3A_569 : i32
      %dma_start3A_571 = arith.constant 1 : i32
      %dma_start3A_572 = arith.constant 128 : i32
      %dma_start3A_573 = arith.constant 0 : i32
      %dma_start3A_574 = tpu.memref_slice %arg6[%dma_start3A_572, %dma_start3A_573] : memref<896x128xf32, #tpu.memory_space<vmem>> -> memref<128x128xf32, #tpu.memory_space<vmem>>
      %dma_start3A_575 = arith.constant 0 : i32
      %dma_start3A_576 = tpu.memref_slice %arg5[%add3A_570, %dma_start3A_575] : memref<50x128xi32, #tpu.memory_space<vmem>> -> memref<1x128xi32, #tpu.memory_space<vmem>>
      %dma_start3A_577 = tpu.memref_squeeze %dma_start3A_576 : memref<1x128xi32, #tpu.memory_space<vmem>> -> memref<128xi32, #tpu.memory_space<vmem>>
      %dma_start3A_578 = arith.constant 0 : i32
      %dma_start3A_579 = arith.constant 0 : i32
      %dma_start3A_580 = tpu.memref_slice %arg3[%dma_start3A_578, %dma_start3A_579] : memref<100000x128xf32, #tpu.memory_space<hbm>> -> memref<100000x128xf32, #tpu.memory_space<hbm>>
      %dma_start3A_581 = tpu.memref_slice %arg7[%dma_start3A_571] : memref<7x!tpu.dma_semaphore, #tpu.memory_space<semaphore_mem>> -> memref<1x!tpu.dma_semaphore, #tpu.memory_space<semaphore_mem>>
      %dma_start3A_582 = tpu.memref_squeeze %dma_start3A_581 : memref<1x!tpu.dma_semaphore, #tpu.memory_space<semaphore_mem>> -> memref<!tpu.dma_semaphore, #tpu.memory_space<semaphore_mem>>
      tpu.enqueue_indirect_dma source(%dma_start3A_580 : memref<100000x128xf32, #tpu.memory_space<hbm>>) target(%dma_start3A_574 : memref<128x128xf32, #tpu.memory_space<vmem>>) offsets(%dma_start3A_577 : memref<128xi32, #tpu.memory_space<vmem>>) semaphore(%dma_start3A_582 : memref<!tpu.dma_semaphore, #tpu.memory_space<semaphore_mem>>)
      %mul3A_583 = arith.constant 7 : i32
      %mul3A_584 = arith.muli %mul3A_583, %scan3A_454 : i32
      %add3A_585 = arith.constant 1 : i32
      %add3A_586 = arith.addi %add3A_585, %mul3A_584 : i32
      %add3A_587 = arith.constant 2 : i32
      %add3A_588 = arith.addi %add3A_586, %add3A_587 : i32
      %dma_wait3A_589 = arith.constant 3 : i32
      %dma_wait3A_590 = arith.constant 384 : i32
      %dma_wait3A_591 = arith.constant 0 : i32
      %dma_wait3A_592 = tpu.memref_slice %arg6[%dma_wait3A_590, %dma_wait3A_591] : memref<896x128xf32, #tpu.memory_space<vmem>> -> memref<128x128xf32, #tpu.memory_space<vmem>>
      %dma_wait3A_593 = arith.constant 0 : i32
      %dma_wait3A_594 = arith.constant 0 : i32
      %dma_wait3A_595 = tpu.memref_slice %arg3[%dma_wait3A_593, %dma_wait3A_594] : memref<100000x128xf32, #tpu.memory_space<hbm>> -> memref<128x128xf32, #tpu.memory_space<hbm>>
      %dma_wait3A_596 = tpu.memref_slice %arg7[%dma_wait3A_589] : memref<7x!tpu.dma_semaphore, #tpu.memory_space<semaphore_mem>> -> memref<1x!tpu.dma_semaphore, #tpu.memory_space<semaphore_mem>>
      %dma_wait3A_597 = tpu.memref_squeeze %dma_wait3A_596 : memref<1x!tpu.dma_semaphore, #tpu.memory_space<semaphore_mem>> -> memref<!tpu.dma_semaphore, #tpu.memory_space<semaphore_mem>>
      %dma_wait3A_598 = arith.constant 384 : i32
      %dma_wait3A_599 = arith.constant 0 : i32
      %dma_wait3A_600 = tpu.memref_slice %arg6[%dma_wait3A_598, %dma_wait3A_599] : memref<896x128xf32, #tpu.memory_space<vmem>> -> memref<128x128xf32, #tpu.memory_space<vmem>>
      %dma_wait3A_601 = arith.constant 0 : i32
      %dma_wait3A_602 = arith.constant 0 : i32
      %dma_wait3A_603 = tpu.memref_slice %arg3[%dma_wait3A_601, %dma_wait3A_602] : memref<100000x128xf32, #tpu.memory_space<hbm>> -> memref<128x128xf32, #tpu.memory_space<hbm>>
      tpu.wait_dma2 semaphore(%dma_wait3A_597 : memref<!tpu.dma_semaphore, #tpu.memory_space<semaphore_mem>>) src(%dma_wait3A_603 : memref<128x128xf32, #tpu.memory_space<hbm>>) dst(%dma_wait3A_600 : memref<128x128xf32, #tpu.memory_space<vmem>>)
      %mul3A_604 = arith.constant 128 : i32
      %mul3A_605 = arith.muli %add3A_588, %mul3A_604 : i32
      %add3A_606 = arith.addi %mul3A_2, %mul3A_605 : i32
      %dma_start3A_607 = arith.constant 3 : i32
      %dma_start3A_608 = arith.constant 384 : i32
      %dma_start3A_609 = arith.constant 0 : i32
      %dma_start3A_610 = tpu.memref_slice %arg6[%dma_start3A_608, %dma_start3A_609] : memref<896x128xf32, #tpu.memory_space<vmem>> -> memref<128x128xf32, #tpu.memory_space<vmem>>
      %dma_start3A_611 = arith.constant 0 : i32
      %dma_start3A_612 = tpu.memref_slice %arg4[%add3A_606, %dma_start3A_611] : memref<204800x128xf32, #tpu.memory_space<hbm>> -> memref<128x128xf32, #tpu.memory_space<hbm>>
      %dma_start3A_613 = tpu.memref_slice %arg8[%dma_start3A_607] : memref<7x!tpu.dma_semaphore, #tpu.memory_space<semaphore_mem>> -> memref<1x!tpu.dma_semaphore, #tpu.memory_space<semaphore_mem>>
      %dma_start3A_614 = tpu.memref_squeeze %dma_start3A_613 : memref<1x!tpu.dma_semaphore, #tpu.memory_space<semaphore_mem>> -> memref<!tpu.dma_semaphore, #tpu.memory_space<semaphore_mem>>
      %dma_start3A_615 = arith.constant 0 : i32
      %dma_start3A_616 = tpu.memref_slice %arg4[%add3A_606, %dma_start3A_615] : memref<204800x128xf32, #tpu.memory_space<hbm>> -> memref<128x128xf32, #tpu.memory_space<hbm>>
      %dma_start3A_617 = arith.constant 384 : i32
      %dma_start3A_618 = arith.constant 0 : i32
      %dma_start3A_619 = tpu.memref_slice %arg6[%dma_start3A_617, %dma_start3A_618] : memref<896x128xf32, #tpu.memory_space<vmem>> -> memref<128x128xf32, #tpu.memory_space<vmem>>
      tpu.enqueue_dma source(%dma_start3A_619 : memref<128x128xf32, #tpu.memory_space<vmem>>) target(%dma_start3A_616 : memref<128x128xf32, #tpu.memory_space<hbm>>) target_semaphore(%dma_start3A_614 : memref<!tpu.dma_semaphore, #tpu.memory_space<semaphore_mem>>)
      %dma_wait3A_620 = arith.constant 2 : i32
      %dma_wait3A_621 = arith.constant 256 : i32
      %dma_wait3A_622 = arith.constant 0 : i32
      %dma_wait3A_623 = tpu.memref_slice %arg6[%dma_wait3A_621, %dma_wait3A_622] : memref<896x128xf32, #tpu.memory_space<vmem>> -> memref<128x128xf32, #tpu.memory_space<vmem>>
      %dma_wait3A_624 = arith.constant 0 : i32
      %dma_wait3A_625 = tpu.memref_slice %arg4[%mul3A_2, %dma_wait3A_624] : memref<204800x128xf32, #tpu.memory_space<hbm>> -> memref<128x128xf32, #tpu.memory_space<hbm>>
      %dma_wait3A_626 = tpu.memref_slice %arg8[%dma_wait3A_620] : memref<7x!tpu.dma_semaphore, #tpu.memory_space<semaphore_mem>> -> memref<1x!tpu.dma_semaphore, #tpu.memory_space<semaphore_mem>>
      %dma_wait3A_627 = tpu.memref_squeeze %dma_wait3A_626 : memref<1x!tpu.dma_semaphore, #tpu.memory_space<semaphore_mem>> -> memref<!tpu.dma_semaphore, #tpu.memory_space<semaphore_mem>>
      %dma_wait3A_628 = arith.constant 0 : i32
      %dma_wait3A_629 = tpu.memref_slice %arg4[%mul3A_2, %dma_wait3A_628] : memref<204800x128xf32, #tpu.memory_space<hbm>> -> memref<128x128xf32, #tpu.memory_space<hbm>>
      %dma_wait3A_630 = arith.constant 256 : i32
      %dma_wait3A_631 = arith.constant 0 : i32
      %dma_wait3A_632 = tpu.memref_slice %arg6[%dma_wait3A_630, %dma_wait3A_631] : memref<896x128xf32, #tpu.memory_space<vmem>> -> memref<128x128xf32, #tpu.memory_space<vmem>>
      tpu.wait_dma2 semaphore(%dma_wait3A_627 : memref<!tpu.dma_semaphore, #tpu.memory_space<semaphore_mem>>) src(%dma_wait3A_632 : memref<128x128xf32, #tpu.memory_space<vmem>>) dst(%dma_wait3A_629 : memref<128x128xf32, #tpu.memory_space<hbm>>)
      %add3A_633 = arith.constant 6 : i32
      %add3A_634 = arith.addi %add3A_588, %add3A_633 : i32
      %dma_start3A_635 = arith.constant 2 : i32
      %dma_start3A_636 = arith.constant 256 : i32
      %dma_start3A_637 = arith.constant 0 : i32
      %dma_start3A_638 = tpu.memref_slice %arg6[%dma_start3A_636, %dma_start3A_637] : memref<896x128xf32, #tpu.memory_space<vmem>> -> memref<128x128xf32, #tpu.memory_space<vmem>>
      %dma_start3A_639 = arith.constant 0 : i32
      %dma_start3A_640 = tpu.memref_slice %arg5[%add3A_634, %dma_start3A_639] : memref<50x128xi32, #tpu.memory_space<vmem>> -> memref<1x128xi32, #tpu.memory_space<vmem>>
      %dma_start3A_641 = tpu.memref_squeeze %dma_start3A_640 : memref<1x128xi32, #tpu.memory_space<vmem>> -> memref<128xi32, #tpu.memory_space<vmem>>
      %dma_start3A_642 = arith.constant 0 : i32
      %dma_start3A_643 = arith.constant 0 : i32
      %dma_start3A_644 = tpu.memref_slice %arg3[%dma_start3A_642, %dma_start3A_643] : memref<100000x128xf32, #tpu.memory_space<hbm>> -> memref<100000x128xf32, #tpu.memory_space<hbm>>
      %dma_start3A_645 = tpu.memref_slice %arg7[%dma_start3A_635] : memref<7x!tpu.dma_semaphore, #tpu.memory_space<semaphore_mem>> -> memref<1x!tpu.dma_semaphore, #tpu.memory_space<semaphore_mem>>
      %dma_start3A_646 = tpu.memref_squeeze %dma_start3A_645 : memref<1x!tpu.dma_semaphore, #tpu.memory_space<semaphore_mem>> -> memref<!tpu.dma_semaphore, #tpu.memory_space<semaphore_mem>>
      tpu.enqueue_indirect_dma source(%dma_start3A_644 : memref<100000x128xf32, #tpu.memory_space<hbm>>) target(%dma_start3A_638 : memref<128x128xf32, #tpu.memory_space<vmem>>) offsets(%dma_start3A_641 : memref<128xi32, #tpu.memory_space<vmem>>) semaphore(%dma_start3A_646 : memref<!tpu.dma_semaphore, #tpu.memory_space<semaphore_mem>>)
      %mul3A_647 = arith.constant 7 : i32
      %mul3A_648 = arith.muli %mul3A_647, %scan3A_454 : i32
      %add3A_649 = arith.constant 1 : i32
      %add3A_650 = arith.addi %add3A_649, %mul3A_648 : i32
      %add3A_651 = arith.constant 3 : i32
      %add3A_652 = arith.addi %add3A_650, %add3A_651 : i32
      %dma_wait3A_653 = arith.constant 4 : i32
      %dma_wait3A_654 = arith.constant 512 : i32
      %dma_wait3A_655 = arith.constant 0 : i32
      %dma_wait3A_656 = tpu.memref_slice %arg6[%dma_wait3A_654, %dma_wait3A_655] : memref<896x128xf32, #tpu.memory_space<vmem>> -> memref<128x128xf32, #tpu.memory_space<vmem>>
      %dma_wait3A_657 = arith.constant 0 : i32
      %dma_wait3A_658 = arith.constant 0 : i32
      %dma_wait3A_659 = tpu.memref_slice %arg3[%dma_wait3A_657, %dma_wait3A_658] : memref<100000x128xf32, #tpu.memory_space<hbm>> -> memref<128x128xf32, #tpu.memory_space<hbm>>
      %dma_wait3A_660 = tpu.memref_slice %arg7[%dma_wait3A_653] : memref<7x!tpu.dma_semaphore, #tpu.memory_space<semaphore_mem>> -> memref<1x!tpu.dma_semaphore, #tpu.memory_space<semaphore_mem>>
      %dma_wait3A_661 = tpu.memref_squeeze %dma_wait3A_660 : memref<1x!tpu.dma_semaphore, #tpu.memory_space<semaphore_mem>> -> memref<!tpu.dma_semaphore, #tpu.memory_space<semaphore_mem>>
      %dma_wait3A_662 = arith.constant 512 : i32
      %dma_wait3A_663 = arith.constant 0 : i32
      %dma_wait3A_664 = tpu.memref_slice %arg6[%dma_wait3A_662, %dma_wait3A_663] : memref<896x128xf32, #tpu.memory_space<vmem>> -> memref<128x128xf32, #tpu.memory_space<vmem>>
      %dma_wait3A_665 = arith.constant 0 : i32
      %dma_wait3A_666 = arith.constant 0 : i32
      %dma_wait3A_667 = tpu.memref_slice %arg3[%dma_wait3A_665, %dma_wait3A_666] : memref<100000x128xf32, #tpu.memory_space<hbm>> -> memref<128x128xf32, #tpu.memory_space<hbm>>
      tpu.wait_dma2 semaphore(%dma_wait3A_661 : memref<!tpu.dma_semaphore, #tpu.memory_space<semaphore_mem>>) src(%dma_wait3A_667 : memref<128x128xf32, #tpu.memory_space<hbm>>) dst(%dma_wait3A_664 : memref<128x128xf32, #tpu.memory_space<vmem>>)
      %mul3A_668 = arith.constant 128 : i32
      %mul3A_669 = arith.muli %add3A_652, %mul3A_668 : i32
      %add3A_670 = arith.addi %mul3A_2, %mul3A_669 : i32
      %dma_start3A_671 = arith.constant 4 : i32
      %dma_start3A_672 = arith.constant 512 : i32
      %dma_start3A_673 = arith.constant 0 : i32
      %dma_start3A_674 = tpu.memref_slice %arg6[%dma_start3A_672, %dma_start3A_673] : memref<896x128xf32, #tpu.memory_space<vmem>> -> memref<128x128xf32, #tpu.memory_space<vmem>>
      %dma_start3A_675 = arith.constant 0 : i32
      %dma_start3A_676 = tpu.memref_slice %arg4[%add3A_670, %dma_start3A_675] : memref<204800x128xf32, #tpu.memory_space<hbm>> -> memref<128x128xf32, #tpu.memory_space<hbm>>
      %dma_start3A_677 = tpu.memref_slice %arg8[%dma_start3A_671] : memref<7x!tpu.dma_semaphore, #tpu.memory_space<semaphore_mem>> -> memref<1x!tpu.dma_semaphore, #tpu.memory_space<semaphore_mem>>
      %dma_start3A_678 = tpu.memref_squeeze %dma_start3A_677 : memref<1x!tpu.dma_semaphore, #tpu.memory_space<semaphore_mem>> -> memref<!tpu.dma_semaphore, #tpu.memory_space<semaphore_mem>>
      %dma_start3A_679 = arith.constant 0 : i32
      %dma_start3A_680 = tpu.memref_slice %arg4[%add3A_670, %dma_start3A_679] : memref<204800x128xf32, #tpu.memory_space<hbm>> -> memref<128x128xf32, #tpu.memory_space<hbm>>
      %dma_start3A_681 = arith.constant 512 : i32
      %dma_start3A_682 = arith.constant 0 : i32
      %dma_start3A_683 = tpu.memref_slice %arg6[%dma_start3A_681, %dma_start3A_682] : memref<896x128xf32, #tpu.memory_space<vmem>> -> memref<128x128xf32, #tpu.memory_space<vmem>>
      tpu.enqueue_dma source(%dma_start3A_683 : memref<128x128xf32, #tpu.memory_space<vmem>>) target(%dma_start3A_680 : memref<128x128xf32, #tpu.memory_space<hbm>>) target_semaphore(%dma_start3A_678 : memref<!tpu.dma_semaphore, #tpu.memory_space<semaphore_mem>>)
      %dma_wait3A_684 = arith.constant 3 : i32
      %dma_wait3A_685 = arith.constant 384 : i32
      %dma_wait3A_686 = arith.constant 0 : i32
      %dma_wait3A_687 = tpu.memref_slice %arg6[%dma_wait3A_685, %dma_wait3A_686] : memref<896x128xf32, #tpu.memory_space<vmem>> -> memref<128x128xf32, #tpu.memory_space<vmem>>
      %dma_wait3A_688 = arith.constant 0 : i32
      %dma_wait3A_689 = tpu.memref_slice %arg4[%mul3A_2, %dma_wait3A_688] : memref<204800x128xf32, #tpu.memory_space<hbm>> -> memref<128x128xf32, #tpu.memory_space<hbm>>
      %dma_wait3A_690 = tpu.memref_slice %arg8[%dma_wait3A_684] : memref<7x!tpu.dma_semaphore, #tpu.memory_space<semaphore_mem>> -> memref<1x!tpu.dma_semaphore, #tpu.memory_space<semaphore_mem>>
      %dma_wait3A_691 = tpu.memref_squeeze %dma_wait3A_690 : memref<1x!tpu.dma_semaphore, #tpu.memory_space<semaphore_mem>> -> memref<!tpu.dma_semaphore, #tpu.memory_space<semaphore_mem>>
      %dma_wait3A_692 = arith.constant 0 : i32
      %dma_wait3A_693 = tpu.memref_slice %arg4[%mul3A_2, %dma_wait3A_692] : memref<204800x128xf32, #tpu.memory_space<hbm>> -> memref<128x128xf32, #tpu.memory_space<hbm>>
      %dma_wait3A_694 = arith.constant 384 : i32
      %dma_wait3A_695 = arith.constant 0 : i32
      %dma_wait3A_696 = tpu.memref_slice %arg6[%dma_wait3A_694, %dma_wait3A_695] : memref<896x128xf32, #tpu.memory_space<vmem>> -> memref<128x128xf32, #tpu.memory_space<vmem>>
      tpu.wait_dma2 semaphore(%dma_wait3A_691 : memref<!tpu.dma_semaphore, #tpu.memory_space<semaphore_mem>>) src(%dma_wait3A_696 : memref<128x128xf32, #tpu.memory_space<vmem>>) dst(%dma_wait3A_693 : memref<128x128xf32, #tpu.memory_space<hbm>>)
      %add3A_697 = arith.constant 6 : i32
      %add3A_698 = arith.addi %add3A_652, %add3A_697 : i32
      %dma_start3A_699 = arith.constant 3 : i32
      %dma_start3A_700 = arith.constant 384 : i32
      %dma_start3A_701 = arith.constant 0 : i32
      %dma_start3A_702 = tpu.memref_slice %arg6[%dma_start3A_700, %dma_start3A_701] : memref<896x128xf32, #tpu.memory_space<vmem>> -> memref<128x128xf32, #tpu.memory_space<vmem>>
      %dma_start3A_703 = arith.constant 0 : i32
      %dma_start3A_704 = tpu.memref_slice %arg5[%add3A_698, %dma_start3A_703] : memref<50x128xi32, #tpu.memory_space<vmem>> -> memref<1x128xi32, #tpu.memory_space<vmem>>
      %dma_start3A_705 = tpu.memref_squeeze %dma_start3A_704 : memref<1x128xi32, #tpu.memory_space<vmem>> -> memref<128xi32, #tpu.memory_space<vmem>>
      %dma_start3A_706 = arith.constant 0 : i32
      %dma_start3A_707 = arith.constant 0 : i32
      %dma_start3A_708 = tpu.memref_slice %arg3[%dma_start3A_706, %dma_start3A_707] : memref<100000x128xf32, #tpu.memory_space<hbm>> -> memref<100000x128xf32, #tpu.memory_space<hbm>>
      %dma_start3A_709 = tpu.memref_slice %arg7[%dma_start3A_699] : memref<7x!tpu.dma_semaphore, #tpu.memory_space<semaphore_mem>> -> memref<1x!tpu.dma_semaphore, #tpu.memory_space<semaphore_mem>>
      %dma_start3A_710 = tpu.memref_squeeze %dma_start3A_709 : memref<1x!tpu.dma_semaphore, #tpu.memory_space<semaphore_mem>> -> memref<!tpu.dma_semaphore, #tpu.memory_space<semaphore_mem>>
      tpu.enqueue_indirect_dma source(%dma_start3A_708 : memref<100000x128xf32, #tpu.memory_space<hbm>>) target(%dma_start3A_702 : memref<128x128xf32, #tpu.memory_space<vmem>>) offsets(%dma_start3A_705 : memref<128xi32, #tpu.memory_space<vmem>>) semaphore(%dma_start3A_710 : memref<!tpu.dma_semaphore, #tpu.memory_space<semaphore_mem>>)
      %mul3A_711 = arith.constant 7 : i32
      %mul3A_712 = arith.muli %mul3A_711, %scan3A_454 : i32
      %add3A_713 = arith.constant 1 : i32
      %add3A_714 = arith.addi %add3A_713, %mul3A_712 : i32
      %add3A_715 = arith.constant 4 : i32
      %add3A_716 = arith.addi %add3A_714, %add3A_715 : i32
      %dma_wait3A_717 = arith.constant 5 : i32
      %dma_wait3A_718 = arith.constant 640 : i32
      %dma_wait3A_719 = arith.constant 0 : i32
      %dma_wait3A_720 = tpu.memref_slice %arg6[%dma_wait3A_718, %dma_wait3A_719] : memref<896x128xf32, #tpu.memory_space<vmem>> -> memref<128x128xf32, #tpu.memory_space<vmem>>
      %dma_wait3A_721 = arith.constant 0 : i32
      %dma_wait3A_722 = arith.constant 0 : i32
      %dma_wait3A_723 = tpu.memref_slice %arg3[%dma_wait3A_721, %dma_wait3A_722] : memref<100000x128xf32, #tpu.memory_space<hbm>> -> memref<128x128xf32, #tpu.memory_space<hbm>>
      %dma_wait3A_724 = tpu.memref_slice %arg7[%dma_wait3A_717] : memref<7x!tpu.dma_semaphore, #tpu.memory_space<semaphore_mem>> -> memref<1x!tpu.dma_semaphore, #tpu.memory_space<semaphore_mem>>
      %dma_wait3A_725 = tpu.memref_squeeze %dma_wait3A_724 : memref<1x!tpu.dma_semaphore, #tpu.memory_space<semaphore_mem>> -> memref<!tpu.dma_semaphore, #tpu.memory_space<semaphore_mem>>
      %dma_wait3A_726 = arith.constant 640 : i32
      %dma_wait3A_727 = arith.constant 0 : i32
      %dma_wait3A_728 = tpu.memref_slice %arg6[%dma_wait3A_726, %dma_wait3A_727] : memref<896x128xf32, #tpu.memory_space<vmem>> -> memref<128x128xf32, #tpu.memory_space<vmem>>
      %dma_wait3A_729 = arith.constant 0 : i32
      %dma_wait3A_730 = arith.constant 0 : i32
      %dma_wait3A_731 = tpu.memref_slice %arg3[%dma_wait3A_729, %dma_wait3A_730] : memref<100000x128xf32, #tpu.memory_space<hbm>> -> memref<128x128xf32, #tpu.memory_space<hbm>>
      tpu.wait_dma2 semaphore(%dma_wait3A_725 : memref<!tpu.dma_semaphore, #tpu.memory_space<semaphore_mem>>) src(%dma_wait3A_731 : memref<128x128xf32, #tpu.memory_space<hbm>>) dst(%dma_wait3A_728 : memref<128x128xf32, #tpu.memory_space<vmem>>)
      %mul3A_732 = arith.constant 128 : i32
      %mul3A_733 = arith.muli %add3A_716, %mul3A_732 : i32
      %add3A_734 = arith.addi %mul3A_2, %mul3A_733 : i32
      %dma_start3A_735 = arith.constant 5 : i32
      %dma_start3A_736 = arith.constant 640 : i32
      %dma_start3A_737 = arith.constant 0 : i32
      %dma_start3A_738 = tpu.memref_slice %arg6[%dma_start3A_736, %dma_start3A_737] : memref<896x128xf32, #tpu.memory_space<vmem>> -> memref<128x128xf32, #tpu.memory_space<vmem>>
      %dma_start3A_739 = arith.constant 0 : i32
      %dma_start3A_740 = tpu.memref_slice %arg4[%add3A_734, %dma_start3A_739] : memref<204800x128xf32, #tpu.memory_space<hbm>> -> memref<128x128xf32, #tpu.memory_space<hbm>>
      %dma_start3A_741 = tpu.memref_slice %arg8[%dma_start3A_735] : memref<7x!tpu.dma_semaphore, #tpu.memory_space<semaphore_mem>> -> memref<1x!tpu.dma_semaphore, #tpu.memory_space<semaphore_mem>>
      %dma_start3A_742 = tpu.memref_squeeze %dma_start3A_741 : memref<1x!tpu.dma_semaphore, #tpu.memory_space<semaphore_mem>> -> memref<!tpu.dma_semaphore, #tpu.memory_space<semaphore_mem>>
      %dma_start3A_743 = arith.constant 0 : i32
      %dma_start3A_744 = tpu.memref_slice %arg4[%add3A_734, %dma_start3A_743] : memref<204800x128xf32, #tpu.memory_space<hbm>> -> memref<128x128xf32, #tpu.memory_space<hbm>>
      %dma_start3A_745 = arith.constant 640 : i32
      %dma_start3A_746 = arith.constant 0 : i32
      %dma_start3A_747 = tpu.memref_slice %arg6[%dma_start3A_745, %dma_start3A_746] : memref<896x128xf32, #tpu.memory_space<vmem>> -> memref<128x128xf32, #tpu.memory_space<vmem>>
      tpu.enqueue_dma source(%dma_start3A_747 : memref<128x128xf32, #tpu.memory_space<vmem>>) target(%dma_start3A_744 : memref<128x128xf32, #tpu.memory_space<hbm>>) target_semaphore(%dma_start3A_742 : memref<!tpu.dma_semaphore, #tpu.memory_space<semaphore_mem>>)
      %dma_wait3A_748 = arith.constant 4 : i32
      %dma_wait3A_749 = arith.constant 512 : i32
      %dma_wait3A_750 = arith.constant 0 : i32
      %dma_wait3A_751 = tpu.memref_slice %arg6[%dma_wait3A_749, %dma_wait3A_750] : memref<896x128xf32, #tpu.memory_space<vmem>> -> memref<128x128xf32, #tpu.memory_space<vmem>>
      %dma_wait3A_752 = arith.constant 0 : i32
      %dma_wait3A_753 = tpu.memref_slice %arg4[%mul3A_2, %dma_wait3A_752] : memref<204800x128xf32, #tpu.memory_space<hbm>> -> memref<128x128xf32, #tpu.memory_space<hbm>>
      %dma_wait3A_754 = tpu.memref_slice %arg8[%dma_wait3A_748] : memref<7x!tpu.dma_semaphore, #tpu.memory_space<semaphore_mem>> -> memref<1x!tpu.dma_semaphore, #tpu.memory_space<semaphore_mem>>
      %dma_wait3A_755 = tpu.memref_squeeze %dma_wait3A_754 : memref<1x!tpu.dma_semaphore, #tpu.memory_space<semaphore_mem>> -> memref<!tpu.dma_semaphore, #tpu.memory_space<semaphore_mem>>
      %dma_wait3A_756 = arith.constant 0 : i32
      %dma_wait3A_757 = tpu.memref_slice %arg4[%mul3A_2, %dma_wait3A_756] : memref<204800x128xf32, #tpu.memory_space<hbm>> -> memref<128x128xf32, #tpu.memory_space<hbm>>
      %dma_wait3A_758 = arith.constant 512 : i32
      %dma_wait3A_759 = arith.constant 0 : i32
      %dma_wait3A_760 = tpu.memref_slice %arg6[%dma_wait3A_758, %dma_wait3A_759] : memref<896x128xf32, #tpu.memory_space<vmem>> -> memref<128x128xf32, #tpu.memory_space<vmem>>
      tpu.wait_dma2 semaphore(%dma_wait3A_755 : memref<!tpu.dma_semaphore, #tpu.memory_space<semaphore_mem>>) src(%dma_wait3A_760 : memref<128x128xf32, #tpu.memory_space<vmem>>) dst(%dma_wait3A_757 : memref<128x128xf32, #tpu.memory_space<hbm>>)
      %add3A_761 = arith.constant 6 : i32
      %add3A_762 = arith.addi %add3A_716, %add3A_761 : i32
      %dma_start3A_763 = arith.constant 4 : i32
      %dma_start3A_764 = arith.constant 512 : i32
      %dma_start3A_765 = arith.constant 0 : i32
      %dma_start3A_766 = tpu.memref_slice %arg6[%dma_start3A_764, %dma_start3A_765] : memref<896x128xf32, #tpu.memory_space<vmem>> -> memref<128x128xf32, #tpu.memory_space<vmem>>
      %dma_start3A_767 = arith.constant 0 : i32
      %dma_start3A_768 = tpu.memref_slice %arg5[%add3A_762, %dma_start3A_767] : memref<50x128xi32, #tpu.memory_space<vmem>> -> memref<1x128xi32, #tpu.memory_space<vmem>>
      %dma_start3A_769 = tpu.memref_squeeze %dma_start3A_768 : memref<1x128xi32, #tpu.memory_space<vmem>> -> memref<128xi32, #tpu.memory_space<vmem>>
      %dma_start3A_770 = arith.constant 0 : i32
      %dma_start3A_771 = arith.constant 0 : i32
      %dma_start3A_772 = tpu.memref_slice %arg3[%dma_start3A_770, %dma_start3A_771] : memref<100000x128xf32, #tpu.memory_space<hbm>> -> memref<100000x128xf32, #tpu.memory_space<hbm>>
      %dma_start3A_773 = tpu.memref_slice %arg7[%dma_start3A_763] : memref<7x!tpu.dma_semaphore, #tpu.memory_space<semaphore_mem>> -> memref<1x!tpu.dma_semaphore, #tpu.memory_space<semaphore_mem>>
      %dma_start3A_774 = tpu.memref_squeeze %dma_start3A_773 : memref<1x!tpu.dma_semaphore, #tpu.memory_space<semaphore_mem>> -> memref<!tpu.dma_semaphore, #tpu.memory_space<semaphore_mem>>
      tpu.enqueue_indirect_dma source(%dma_start3A_772 : memref<100000x128xf32, #tpu.memory_space<hbm>>) target(%dma_start3A_766 : memref<128x128xf32, #tpu.memory_space<vmem>>) offsets(%dma_start3A_769 : memref<128xi32, #tpu.memory_space<vmem>>) semaphore(%dma_start3A_774 : memref<!tpu.dma_semaphore, #tpu.memory_space<semaphore_mem>>)
      %mul3A_775 = arith.constant 7 : i32
      %mul3A_776 = arith.muli %mul3A_775, %scan3A_454 : i32
      %add3A_777 = arith.constant 1 : i32
      %add3A_778 = arith.addi %add3A_777, %mul3A_776 : i32
      %add3A_779 = arith.constant 5 : i32
      %add3A_780 = arith.addi %add3A_778, %add3A_779 : i32
      %dma_wait3A_781 = arith.constant 6 : i32
      %dma_wait3A_782 = arith.constant 768 : i32
      %dma_wait3A_783 = arith.constant 0 : i32
      %dma_wait3A_784 = tpu.memref_slice %arg6[%dma_wait3A_782, %dma_wait3A_783] : memref<896x128xf32, #tpu.memory_space<vmem>> -> memref<128x128xf32, #tpu.memory_space<vmem>>
      %dma_wait3A_785 = arith.constant 0 : i32
      %dma_wait3A_786 = arith.constant 0 : i32
      %dma_wait3A_787 = tpu.memref_slice %arg3[%dma_wait3A_785, %dma_wait3A_786] : memref<100000x128xf32, #tpu.memory_space<hbm>> -> memref<128x128xf32, #tpu.memory_space<hbm>>
      %dma_wait3A_788 = tpu.memref_slice %arg7[%dma_wait3A_781] : memref<7x!tpu.dma_semaphore, #tpu.memory_space<semaphore_mem>> -> memref<1x!tpu.dma_semaphore, #tpu.memory_space<semaphore_mem>>
      %dma_wait3A_789 = tpu.memref_squeeze %dma_wait3A_788 : memref<1x!tpu.dma_semaphore, #tpu.memory_space<semaphore_mem>> -> memref<!tpu.dma_semaphore, #tpu.memory_space<semaphore_mem>>
      %dma_wait3A_790 = arith.constant 768 : i32
      %dma_wait3A_791 = arith.constant 0 : i32
      %dma_wait3A_792 = tpu.memref_slice %arg6[%dma_wait3A_790, %dma_wait3A_791] : memref<896x128xf32, #tpu.memory_space<vmem>> -> memref<128x128xf32, #tpu.memory_space<vmem>>
      %dma_wait3A_793 = arith.constant 0 : i32
      %dma_wait3A_794 = arith.constant 0 : i32
      %dma_wait3A_795 = tpu.memref_slice %arg3[%dma_wait3A_793, %dma_wait3A_794] : memref<100000x128xf32, #tpu.memory_space<hbm>> -> memref<128x128xf32, #tpu.memory_space<hbm>>
      tpu.wait_dma2 semaphore(%dma_wait3A_789 : memref<!tpu.dma_semaphore, #tpu.memory_space<semaphore_mem>>) src(%dma_wait3A_795 : memref<128x128xf32, #tpu.memory_space<hbm>>) dst(%dma_wait3A_792 : memref<128x128xf32, #tpu.memory_space<vmem>>)
      %mul3A_796 = arith.constant 128 : i32
      %mul3A_797 = arith.muli %add3A_780, %mul3A_796 : i32
      %add3A_798 = arith.addi %mul3A_2, %mul3A_797 : i32
      %dma_start3A_799 = arith.constant 6 : i32
      %dma_start3A_800 = arith.constant 768 : i32
      %dma_start3A_801 = arith.constant 0 : i32
      %dma_start3A_802 = tpu.memref_slice %arg6[%dma_start3A_800, %dma_start3A_801] : memref<896x128xf32, #tpu.memory_space<vmem>> -> memref<128x128xf32, #tpu.memory_space<vmem>>
      %dma_start3A_803 = arith.constant 0 : i32
      %dma_start3A_804 = tpu.memref_slice %arg4[%add3A_798, %dma_start3A_803] : memref<204800x128xf32, #tpu.memory_space<hbm>> -> memref<128x128xf32, #tpu.memory_space<hbm>>
      %dma_start3A_805 = tpu.memref_slice %arg8[%dma_start3A_799] : memref<7x!tpu.dma_semaphore, #tpu.memory_space<semaphore_mem>> -> memref<1x!tpu.dma_semaphore, #tpu.memory_space<semaphore_mem>>
      %dma_start3A_806 = tpu.memref_squeeze %dma_start3A_805 : memref<1x!tpu.dma_semaphore, #tpu.memory_space<semaphore_mem>> -> memref<!tpu.dma_semaphore, #tpu.memory_space<semaphore_mem>>
      %dma_start3A_807 = arith.constant 0 : i32
      %dma_start3A_808 = tpu.memref_slice %arg4[%add3A_798, %dma_start3A_807] : memref<204800x128xf32, #tpu.memory_space<hbm>> -> memref<128x128xf32, #tpu.memory_space<hbm>>
      %dma_start3A_809 = arith.constant 768 : i32
      %dma_start3A_810 = arith.constant 0 : i32
      %dma_start3A_811 = tpu.memref_slice %arg6[%dma_start3A_809, %dma_start3A_810] : memref<896x128xf32, #tpu.memory_space<vmem>> -> memref<128x128xf32, #tpu.memory_space<vmem>>
      tpu.enqueue_dma source(%dma_start3A_811 : memref<128x128xf32, #tpu.memory_space<vmem>>) target(%dma_start3A_808 : memref<128x128xf32, #tpu.memory_space<hbm>>) target_semaphore(%dma_start3A_806 : memref<!tpu.dma_semaphore, #tpu.memory_space<semaphore_mem>>)
      %dma_wait3A_812 = arith.constant 5 : i32
      %dma_wait3A_813 = arith.constant 640 : i32
      %dma_wait3A_814 = arith.constant 0 : i32
      %dma_wait3A_815 = tpu.memref_slice %arg6[%dma_wait3A_813, %dma_wait3A_814] : memref<896x128xf32, #tpu.memory_space<vmem>> -> memref<128x128xf32, #tpu.memory_space<vmem>>
      %dma_wait3A_816 = arith.constant 0 : i32
      %dma_wait3A_817 = tpu.memref_slice %arg4[%mul3A_2, %dma_wait3A_816] : memref<204800x128xf32, #tpu.memory_space<hbm>> -> memref<128x128xf32, #tpu.memory_space<hbm>>
      %dma_wait3A_818 = tpu.memref_slice %arg8[%dma_wait3A_812] : memref<7x!tpu.dma_semaphore, #tpu.memory_space<semaphore_mem>> -> memref<1x!tpu.dma_semaphore, #tpu.memory_space<semaphore_mem>>
      %dma_wait3A_819 = tpu.memref_squeeze %dma_wait3A_818 : memref<1x!tpu.dma_semaphore, #tpu.memory_space<semaphore_mem>> -> memref<!tpu.dma_semaphore, #tpu.memory_space<semaphore_mem>>
      %dma_wait3A_820 = arith.constant 0 : i32
      %dma_wait3A_821 = tpu.memref_slice %arg4[%mul3A_2, %dma_wait3A_820] : memref<204800x128xf32, #tpu.memory_space<hbm>> -> memref<128x128xf32, #tpu.memory_space<hbm>>
      %dma_wait3A_822 = arith.constant 640 : i32
      %dma_wait3A_823 = arith.constant 0 : i32
      %dma_wait3A_824 = tpu.memref_slice %arg6[%dma_wait3A_822, %dma_wait3A_823] : memref<896x128xf32, #tpu.memory_space<vmem>> -> memref<128x128xf32, #tpu.memory_space<vmem>>
      tpu.wait_dma2 semaphore(%dma_wait3A_819 : memref<!tpu.dma_semaphore, #tpu.memory_space<semaphore_mem>>) src(%dma_wait3A_824 : memref<128x128xf32, #tpu.memory_space<vmem>>) dst(%dma_wait3A_821 : memref<128x128xf32, #tpu.memory_space<hbm>>)
      %add3A_825 = arith.constant 6 : i32
      %add3A_826 = arith.addi %add3A_780, %add3A_825 : i32
      %dma_start3A_827 = arith.constant 5 : i32
      %dma_start3A_828 = arith.constant 640 : i32
      %dma_start3A_829 = arith.constant 0 : i32
      %dma_start3A_830 = tpu.memref_slice %arg6[%dma_start3A_828, %dma_start3A_829] : memref<896x128xf32, #tpu.memory_space<vmem>> -> memref<128x128xf32, #tpu.memory_space<vmem>>
      %dma_start3A_831 = arith.constant 0 : i32
      %dma_start3A_832 = tpu.memref_slice %arg5[%add3A_826, %dma_start3A_831] : memref<50x128xi32, #tpu.memory_space<vmem>> -> memref<1x128xi32, #tpu.memory_space<vmem>>
      %dma_start3A_833 = tpu.memref_squeeze %dma_start3A_832 : memref<1x128xi32, #tpu.memory_space<vmem>> -> memref<128xi32, #tpu.memory_space<vmem>>
      %dma_start3A_834 = arith.constant 0 : i32
      %dma_start3A_835 = arith.constant 0 : i32
      %dma_start3A_836 = tpu.memref_slice %arg3[%dma_start3A_834, %dma_start3A_835] : memref<100000x128xf32, #tpu.memory_space<hbm>> -> memref<100000x128xf32, #tpu.memory_space<hbm>>
      %dma_start3A_837 = tpu.memref_slice %arg7[%dma_start3A_827] : memref<7x!tpu.dma_semaphore, #tpu.memory_space<semaphore_mem>> -> memref<1x!tpu.dma_semaphore, #tpu.memory_space<semaphore_mem>>
      %dma_start3A_838 = tpu.memref_squeeze %dma_start3A_837 : memref<1x!tpu.dma_semaphore, #tpu.memory_space<semaphore_mem>> -> memref<!tpu.dma_semaphore, #tpu.memory_space<semaphore_mem>>
      tpu.enqueue_indirect_dma source(%dma_start3A_836 : memref<100000x128xf32, #tpu.memory_space<hbm>>) target(%dma_start3A_830 : memref<128x128xf32, #tpu.memory_space<vmem>>) offsets(%dma_start3A_833 : memref<128xi32, #tpu.memory_space<vmem>>) semaphore(%dma_start3A_838 : memref<!tpu.dma_semaphore, #tpu.memory_space<semaphore_mem>>)
      %mul3A_839 = arith.constant 7 : i32
      %mul3A_840 = arith.muli %mul3A_839, %scan3A_454 : i32
      %add3A_841 = arith.constant 1 : i32
      %add3A_842 = arith.addi %add3A_841, %mul3A_840 : i32
      %add3A_843 = arith.constant 6 : i32
      %add3A_844 = arith.addi %add3A_842, %add3A_843 : i32
      %dma_wait3A_845 = arith.constant 0 : i32
      %dma_wait3A_846 = arith.constant 0 : i32
      %dma_wait3A_847 = arith.constant 0 : i32
      %dma_wait3A_848 = tpu.memref_slice %arg6[%dma_wait3A_846, %dma_wait3A_847] : memref<896x128xf32, #tpu.memory_space<vmem>> -> memref<128x128xf32, #tpu.memory_space<vmem>>
      %dma_wait3A_849 = arith.constant 0 : i32
      %dma_wait3A_850 = arith.constant 0 : i32
      %dma_wait3A_851 = tpu.memref_slice %arg3[%dma_wait3A_849, %dma_wait3A_850] : memref<100000x128xf32, #tpu.memory_space<hbm>> -> memref<128x128xf32, #tpu.memory_space<hbm>>
      %dma_wait3A_852 = tpu.memref_slice %arg7[%dma_wait3A_845] : memref<7x!tpu.dma_semaphore, #tpu.memory_space<semaphore_mem>> -> memref<1x!tpu.dma_semaphore, #tpu.memory_space<semaphore_mem>>
      %dma_wait3A_853 = tpu.memref_squeeze %dma_wait3A_852 : memref<1x!tpu.dma_semaphore, #tpu.memory_space<semaphore_mem>> -> memref<!tpu.dma_semaphore, #tpu.memory_space<semaphore_mem>>
      %dma_wait3A_854 = arith.constant 0 : i32
      %dma_wait3A_855 = arith.constant 0 : i32
      %dma_wait3A_856 = tpu.memref_slice %arg6[%dma_wait3A_854, %dma_wait3A_855] : memref<896x128xf32, #tpu.memory_space<vmem>> -> memref<128x128xf32, #tpu.memory_space<vmem>>
      %dma_wait3A_857 = arith.constant 0 : i32
      %dma_wait3A_858 = arith.constant 0 : i32
      %dma_wait3A_859 = tpu.memref_slice %arg3[%dma_wait3A_857, %dma_wait3A_858] : memref<100000x128xf32, #tpu.memory_space<hbm>> -> memref<128x128xf32, #tpu.memory_space<hbm>>
      tpu.wait_dma2 semaphore(%dma_wait3A_853 : memref<!tpu.dma_semaphore, #tpu.memory_space<semaphore_mem>>) src(%dma_wait3A_859 : memref<128x128xf32, #tpu.memory_space<hbm>>) dst(%dma_wait3A_856 : memref<128x128xf32, #tpu.memory_space<vmem>>)
      %mul3A_860 = arith.constant 128 : i32
      %mul3A_861 = arith.muli %add3A_844, %mul3A_860 : i32
      %add3A_862 = arith.addi %mul3A_2, %mul3A_861 : i32
      %dma_start3A_863 = arith.constant 0 : i32
      %dma_start3A_864 = arith.constant 0 : i32
      %dma_start3A_865 = arith.constant 0 : i32
      %dma_start3A_866 = tpu.memref_slice %arg6[%dma_start3A_864, %dma_start3A_865] : memref<896x128xf32, #tpu.memory_space<vmem>> -> memref<128x128xf32, #tpu.memory_space<vmem>>
      %dma_start3A_867 = arith.constant 0 : i32
      %dma_start3A_868 = tpu.memref_slice %arg4[%add3A_862, %dma_start3A_867] : memref<204800x128xf32, #tpu.memory_space<hbm>> -> memref<128x128xf32, #tpu.memory_space<hbm>>
      %dma_start3A_869 = tpu.memref_slice %arg8[%dma_start3A_863] : memref<7x!tpu.dma_semaphore, #tpu.memory_space<semaphore_mem>> -> memref<1x!tpu.dma_semaphore, #tpu.memory_space<semaphore_mem>>
      %dma_start3A_870 = tpu.memref_squeeze %dma_start3A_869 : memref<1x!tpu.dma_semaphore, #tpu.memory_space<semaphore_mem>> -> memref<!tpu.dma_semaphore, #tpu.memory_space<semaphore_mem>>
      %dma_start3A_871 = arith.constant 0 : i32
      %dma_start3A_872 = tpu.memref_slice %arg4[%add3A_862, %dma_start3A_871] : memref<204800x128xf32, #tpu.memory_space<hbm>> -> memref<128x128xf32, #tpu.memory_space<hbm>>
      %dma_start3A_873 = arith.constant 0 : i32
      %dma_start3A_874 = arith.constant 0 : i32
      %dma_start3A_875 = tpu.memref_slice %arg6[%dma_start3A_873, %dma_start3A_874] : memref<896x128xf32, #tpu.memory_space<vmem>> -> memref<128x128xf32, #tpu.memory_space<vmem>>
      tpu.enqueue_dma source(%dma_start3A_875 : memref<128x128xf32, #tpu.memory_space<vmem>>) target(%dma_start3A_872 : memref<128x128xf32, #tpu.memory_space<hbm>>) target_semaphore(%dma_start3A_870 : memref<!tpu.dma_semaphore, #tpu.memory_space<semaphore_mem>>)
      %dma_wait3A_876 = arith.constant 6 : i32
      %dma_wait3A_877 = arith.constant 768 : i32
      %dma_wait3A_878 = arith.constant 0 : i32
      %dma_wait3A_879 = tpu.memref_slice %arg6[%dma_wait3A_877, %dma_wait3A_878] : memref<896x128xf32, #tpu.memory_space<vmem>> -> memref<128x128xf32, #tpu.memory_space<vmem>>
      %dma_wait3A_880 = arith.constant 0 : i32
      %dma_wait3A_881 = tpu.memref_slice %arg4[%mul3A_2, %dma_wait3A_880] : memref<204800x128xf32, #tpu.memory_space<hbm>> -> memref<128x128xf32, #tpu.memory_space<hbm>>
      %dma_wait3A_882 = tpu.memref_slice %arg8[%dma_wait3A_876] : memref<7x!tpu.dma_semaphore, #tpu.memory_space<semaphore_mem>> -> memref<1x!tpu.dma_semaphore, #tpu.memory_space<semaphore_mem>>
      %dma_wait3A_883 = tpu.memref_squeeze %dma_wait3A_882 : memref<1x!tpu.dma_semaphore, #tpu.memory_space<semaphore_mem>> -> memref<!tpu.dma_semaphore, #tpu.memory_space<semaphore_mem>>
      %dma_wait3A_884 = arith.constant 0 : i32
      %dma_wait3A_885 = tpu.memref_slice %arg4[%mul3A_2, %dma_wait3A_884] : memref<204800x128xf32, #tpu.memory_space<hbm>> -> memref<128x128xf32, #tpu.memory_space<hbm>>
      %dma_wait3A_886 = arith.constant 768 : i32
      %dma_wait3A_887 = arith.constant 0 : i32
      %dma_wait3A_888 = tpu.memref_slice %arg6[%dma_wait3A_886, %dma_wait3A_887] : memref<896x128xf32, #tpu.memory_space<vmem>> -> memref<128x128xf32, #tpu.memory_space<vmem>>
      tpu.wait_dma2 semaphore(%dma_wait3A_883 : memref<!tpu.dma_semaphore, #tpu.memory_space<semaphore_mem>>) src(%dma_wait3A_888 : memref<128x128xf32, #tpu.memory_space<vmem>>) dst(%dma_wait3A_885 : memref<128x128xf32, #tpu.memory_space<hbm>>)
      %add3A_889 = arith.constant 6 : i32
      %add3A_890 = arith.addi %add3A_844, %add3A_889 : i32
      %dma_start3A_891 = arith.constant 6 : i32
      %dma_start3A_892 = arith.constant 768 : i32
      %dma_start3A_893 = arith.constant 0 : i32
      %dma_start3A_894 = tpu.memref_slice %arg6[%dma_start3A_892, %dma_start3A_893] : memref<896x128xf32, #tpu.memory_space<vmem>> -> memref<128x128xf32, #tpu.memory_space<vmem>>
      %dma_start3A_895 = arith.constant 0 : i32
      %dma_start3A_896 = tpu.memref_slice %arg5[%add3A_890, %dma_start3A_895] : memref<50x128xi32, #tpu.memory_space<vmem>> -> memref<1x128xi32, #tpu.memory_space<vmem>>
      %dma_start3A_897 = tpu.memref_squeeze %dma_start3A_896 : memref<1x128xi32, #tpu.memory_space<vmem>> -> memref<128xi32, #tpu.memory_space<vmem>>
      %dma_start3A_898 = arith.constant 0 : i32
      %dma_start3A_899 = arith.constant 0 : i32
      %dma_start3A_900 = tpu.memref_slice %arg3[%dma_start3A_898, %dma_start3A_899] : memref<100000x128xf32, #tpu.memory_space<hbm>> -> memref<100000x128xf32, #tpu.memory_space<hbm>>
      %dma_start3A_901 = tpu.memref_slice %arg7[%dma_start3A_891] : memref<7x!tpu.dma_semaphore, #tpu.memory_space<semaphore_mem>> -> memref<1x!tpu.dma_semaphore, #tpu.memory_space<semaphore_mem>>
      %dma_start3A_902 = tpu.memref_squeeze %dma_start3A_901 : memref<1x!tpu.dma_semaphore, #tpu.memory_space<semaphore_mem>> -> memref<!tpu.dma_semaphore, #tpu.memory_space<semaphore_mem>>
      tpu.enqueue_indirect_dma source(%dma_start3A_900 : memref<100000x128xf32, #tpu.memory_space<hbm>>) target(%dma_start3A_894 : memref<128x128xf32, #tpu.memory_space<vmem>>) offsets(%dma_start3A_897 : memref<128xi32, #tpu.memory_space<vmem>>) semaphore(%dma_start3A_902 : memref<!tpu.dma_semaphore, #tpu.memory_space<semaphore_mem>>)
    }
    %scan3A_126 = arith.constant 6 : i32
    %dma_wait3A_127 = arith.constant 1 : i32
    %dma_wait3A_128 = arith.constant 128 : i32
    %dma_wait3A_129 = arith.constant 0 : i32
    %dma_wait3A_130 = tpu.memref_slice %arg6[%dma_wait3A_128, %dma_wait3A_129] : memref<896x128xf32, #tpu.memory_space<vmem>> -> memref<128x128xf32, #tpu.memory_space<vmem>>
    %dma_wait3A_131 = arith.constant 0 : i32
    %dma_wait3A_132 = arith.constant 0 : i32
    %dma_wait3A_133 = tpu.memref_slice %arg3[%dma_wait3A_131, %dma_wait3A_132] : memref<100000x128xf32, #tpu.memory_space<hbm>> -> memref<128x128xf32, #tpu.memory_space<hbm>>
    %dma_wait3A_134 = tpu.memref_slice %arg7[%dma_wait3A_127] : memref<7x!tpu.dma_semaphore, #tpu.memory_space<semaphore_mem>> -> memref<1x!tpu.dma_semaphore, #tpu.memory_space<semaphore_mem>>
    %dma_wait3A_135 = tpu.memref_squeeze %dma_wait3A_134 : memref<1x!tpu.dma_semaphore, #tpu.memory_space<semaphore_mem>> -> memref<!tpu.dma_semaphore, #tpu.memory_space<semaphore_mem>>
    %dma_wait3A_136 = arith.constant 128 : i32
    %dma_wait3A_137 = arith.constant 0 : i32
    %dma_wait3A_138 = tpu.memref_slice %arg6[%dma_wait3A_136, %dma_wait3A_137] : memref<896x128xf32, #tpu.memory_space<vmem>> -> memref<128x128xf32, #tpu.memory_space<vmem>>
    %dma_wait3A_139 = arith.constant 0 : i32
    %dma_wait3A_140 = arith.constant 0 : i32
    %dma_wait3A_141 = tpu.memref_slice %arg3[%dma_wait3A_139, %dma_wait3A_140] : memref<100000x128xf32, #tpu.memory_space<hbm>> -> memref<128x128xf32, #tpu.memory_space<hbm>>
    tpu.wait_dma2 semaphore(%dma_wait3A_135 : memref<!tpu.dma_semaphore, #tpu.memory_space<semaphore_mem>>) src(%dma_wait3A_141 : memref<128x128xf32, #tpu.memory_space<hbm>>) dst(%dma_wait3A_138 : memref<128x128xf32, #tpu.memory_space<vmem>>)
    %add3A_142 = arith.constant 5504 : i32
    %add3A_143 = arith.addi %mul3A_2, %add3A_142 : i32
    %dma_start3A_144 = arith.constant 1 : i32
    %dma_start3A_145 = arith.constant 128 : i32
    %dma_start3A_146 = arith.constant 0 : i32
    %dma_start3A_147 = tpu.memref_slice %arg6[%dma_start3A_145, %dma_start3A_146] : memref<896x128xf32, #tpu.memory_space<vmem>> -> memref<128x128xf32, #tpu.memory_space<vmem>>
    %dma_start3A_148 = arith.constant 0 : i32
    %dma_start3A_149 = tpu.memref_slice %arg4[%add3A_143, %dma_start3A_148] : memref<204800x128xf32, #tpu.memory_space<hbm>> -> memref<128x128xf32, #tpu.memory_space<hbm>>
    %dma_start3A_150 = tpu.memref_slice %arg8[%dma_start3A_144] : memref<7x!tpu.dma_semaphore, #tpu.memory_space<semaphore_mem>> -> memref<1x!tpu.dma_semaphore, #tpu.memory_space<semaphore_mem>>
    %dma_start3A_151 = tpu.memref_squeeze %dma_start3A_150 : memref<1x!tpu.dma_semaphore, #tpu.memory_space<semaphore_mem>> -> memref<!tpu.dma_semaphore, #tpu.memory_space<semaphore_mem>>
    %dma_start3A_152 = arith.constant 0 : i32
    %dma_start3A_153 = tpu.memref_slice %arg4[%add3A_143, %dma_start3A_152] : memref<204800x128xf32, #tpu.memory_space<hbm>> -> memref<128x128xf32, #tpu.memory_space<hbm>>
    %dma_start3A_154 = arith.constant 128 : i32
    %dma_start3A_155 = arith.constant 0 : i32
    %dma_start3A_156 = tpu.memref_slice %arg6[%dma_start3A_154, %dma_start3A_155] : memref<896x128xf32, #tpu.memory_space<vmem>> -> memref<128x128xf32, #tpu.memory_space<vmem>>
    tpu.enqueue_dma source(%dma_start3A_156 : memref<128x128xf32, #tpu.memory_space<vmem>>) target(%dma_start3A_153 : memref<128x128xf32, #tpu.memory_space<hbm>>) target_semaphore(%dma_start3A_151 : memref<!tpu.dma_semaphore, #tpu.memory_space<semaphore_mem>>)
    %dma_wait3A_157 = arith.constant 0 : i32
    %dma_wait3A_158 = arith.constant 0 : i32
    %dma_wait3A_159 = arith.constant 0 : i32
    %dma_wait3A_160 = tpu.memref_slice %arg6[%dma_wait3A_158, %dma_wait3A_159] : memref<896x128xf32, #tpu.memory_space<vmem>> -> memref<128x128xf32, #tpu.memory_space<vmem>>
    %dma_wait3A_161 = arith.constant 0 : i32
    %dma_wait3A_162 = tpu.memref_slice %arg4[%mul3A_2, %dma_wait3A_161] : memref<204800x128xf32, #tpu.memory_space<hbm>> -> memref<128x128xf32, #tpu.memory_space<hbm>>
    %dma_wait3A_163 = tpu.memref_slice %arg8[%dma_wait3A_157] : memref<7x!tpu.dma_semaphore, #tpu.memory_space<semaphore_mem>> -> memref<1x!tpu.dma_semaphore, #tpu.memory_space<semaphore_mem>>
    %dma_wait3A_164 = tpu.memref_squeeze %dma_wait3A_163 : memref<1x!tpu.dma_semaphore, #tpu.memory_space<semaphore_mem>> -> memref<!tpu.dma_semaphore, #tpu.memory_space<semaphore_mem>>
    %dma_wait3A_165 = arith.constant 0 : i32
    %dma_wait3A_166 = tpu.memref_slice %arg4[%mul3A_2, %dma_wait3A_165] : memref<204800x128xf32, #tpu.memory_space<hbm>> -> memref<128x128xf32, #tpu.memory_space<hbm>>
    %dma_wait3A_167 = arith.constant 0 : i32
    %dma_wait3A_168 = arith.constant 0 : i32
    %dma_wait3A_169 = tpu.memref_slice %arg6[%dma_wait3A_167, %dma_wait3A_168] : memref<896x128xf32, #tpu.memory_space<vmem>> -> memref<128x128xf32, #tpu.memory_space<vmem>>
    tpu.wait_dma2 semaphore(%dma_wait3A_164 : memref<!tpu.dma_semaphore, #tpu.memory_space<semaphore_mem>>) src(%dma_wait3A_169 : memref<128x128xf32, #tpu.memory_space<vmem>>) dst(%dma_wait3A_166 : memref<128x128xf32, #tpu.memory_space<hbm>>)
    %dma_start3A_170 = arith.constant 49 : i32
    %dma_start3A_171 = arith.constant 0 : i32
    %dma_start3A_172 = arith.constant 0 : i32
    %dma_start3A_173 = arith.constant 0 : i32
    %dma_start3A_174 = tpu.memref_slice %arg6[%dma_start3A_172, %dma_start3A_173] : memref<896x128xf32, #tpu.memory_space<vmem>> -> memref<128x128xf32, #tpu.memory_space<vmem>>
    %dma_start3A_175 = arith.constant 0 : i32
    %dma_start3A_176 = tpu.memref_slice %arg5[%dma_start3A_170, %dma_start3A_175] : memref<50x128xi32, #tpu.memory_space<vmem>> -> memref<1x128xi32, #tpu.memory_space<vmem>>
    %dma_start3A_177 = tpu.memref_squeeze %dma_start3A_176 : memref<1x128xi32, #tpu.memory_space<vmem>> -> memref<128xi32, #tpu.memory_space<vmem>>
    %dma_start3A_178 = arith.constant 0 : i32
    %dma_start3A_179 = arith.constant 0 : i32
    %dma_start3A_180 = tpu.memref_slice %arg3[%dma_start3A_178, %dma_start3A_179] : memref<100000x128xf32, #tpu.memory_space<hbm>> -> memref<100000x128xf32, #tpu.memory_space<hbm>>
    %dma_start3A_181 = tpu.memref_slice %arg7[%dma_start3A_171] : memref<7x!tpu.dma_semaphore, #tpu.memory_space<semaphore_mem>> -> memref<1x!tpu.dma_semaphore, #tpu.memory_space<semaphore_mem>>
    %dma_start3A_182 = tpu.memref_squeeze %dma_start3A_181 : memref<1x!tpu.dma_semaphore, #tpu.memory_space<semaphore_mem>> -> memref<!tpu.dma_semaphore, #tpu.memory_space<semaphore_mem>>
    tpu.enqueue_indirect_dma source(%dma_start3A_180 : memref<100000x128xf32, #tpu.memory_space<hbm>>) target(%dma_start3A_174 : memref<128x128xf32, #tpu.memory_space<vmem>>) offsets(%dma_start3A_177 : memref<128xi32, #tpu.memory_space<vmem>>) semaphore(%dma_start3A_182 : memref<!tpu.dma_semaphore, #tpu.memory_space<semaphore_mem>>)
    %dma_wait3A_183 = arith.constant 2 : i32
    %dma_wait3A_184 = arith.constant 256 : i32
    %dma_wait3A_185 = arith.constant 0 : i32
    %dma_wait3A_186 = tpu.memref_slice %arg6[%dma_wait3A_184, %dma_wait3A_185] : memref<896x128xf32, #tpu.memory_space<vmem>> -> memref<128x128xf32, #tpu.memory_space<vmem>>
    %dma_wait3A_187 = arith.constant 0 : i32
    %dma_wait3A_188 = arith.constant 0 : i32
    %dma_wait3A_189 = tpu.memref_slice %arg3[%dma_wait3A_187, %dma_wait3A_188] : memref<100000x128xf32, #tpu.memory_space<hbm>> -> memref<128x128xf32, #tpu.memory_space<hbm>>
    %dma_wait3A_190 = tpu.memref_slice %arg7[%dma_wait3A_183] : memref<7x!tpu.dma_semaphore, #tpu.memory_space<semaphore_mem>> -> memref<1x!tpu.dma_semaphore, #tpu.memory_space<semaphore_mem>>
    %dma_wait3A_191 = tpu.memref_squeeze %dma_wait3A_190 : memref<1x!tpu.dma_semaphore, #tpu.memory_space<semaphore_mem>> -> memref<!tpu.dma_semaphore, #tpu.memory_space<semaphore_mem>>
    %dma_wait3A_192 = arith.constant 256 : i32
    %dma_wait3A_193 = arith.constant 0 : i32
    %dma_wait3A_194 = tpu.memref_slice %arg6[%dma_wait3A_192, %dma_wait3A_193] : memref<896x128xf32, #tpu.memory_space<vmem>> -> memref<128x128xf32, #tpu.memory_space<vmem>>
    %dma_wait3A_195 = arith.constant 0 : i32
    %dma_wait3A_196 = arith.constant 0 : i32
    %dma_wait3A_197 = tpu.memref_slice %arg3[%dma_wait3A_195, %dma_wait3A_196] : memref<100000x128xf32, #tpu.memory_space<hbm>> -> memref<128x128xf32, #tpu.memory_space<hbm>>
    tpu.wait_dma2 semaphore(%dma_wait3A_191 : memref<!tpu.dma_semaphore, #tpu.memory_space<semaphore_mem>>) src(%dma_wait3A_197 : memref<128x128xf32, #tpu.memory_space<hbm>>) dst(%dma_wait3A_194 : memref<128x128xf32, #tpu.memory_space<vmem>>)
    %add3A_198 = arith.constant 5632 : i32
    %add3A_199 = arith.addi %mul3A_2, %add3A_198 : i32
    %dma_start3A_200 = arith.constant 2 : i32
    %dma_start3A_201 = arith.constant 256 : i32
    %dma_start3A_202 = arith.constant 0 : i32
    %dma_start3A_203 = tpu.memref_slice %arg6[%dma_start3A_201, %dma_start3A_202] : memref<896x128xf32, #tpu.memory_space<vmem>> -> memref<128x128xf32, #tpu.memory_space<vmem>>
    %dma_start3A_204 = arith.constant 0 : i32
    %dma_start3A_205 = tpu.memref_slice %arg4[%add3A_199, %dma_start3A_204] : memref<204800x128xf32, #tpu.memory_space<hbm>> -> memref<128x128xf32, #tpu.memory_space<hbm>>
    %dma_start3A_206 = tpu.memref_slice %arg8[%dma_start3A_200] : memref<7x!tpu.dma_semaphore, #tpu.memory_space<semaphore_mem>> -> memref<1x!tpu.dma_semaphore, #tpu.memory_space<semaphore_mem>>
    %dma_start3A_207 = tpu.memref_squeeze %dma_start3A_206 : memref<1x!tpu.dma_semaphore, #tpu.memory_space<semaphore_mem>> -> memref<!tpu.dma_semaphore, #tpu.memory_space<semaphore_mem>>
    %dma_start3A_208 = arith.constant 0 : i32
    %dma_start3A_209 = tpu.memref_slice %arg4[%add3A_199, %dma_start3A_208] : memref<204800x128xf32, #tpu.memory_space<hbm>> -> memref<128x128xf32, #tpu.memory_space<hbm>>
    %dma_start3A_210 = arith.constant 256 : i32
    %dma_start3A_211 = arith.constant 0 : i32
    %dma_start3A_212 = tpu.memref_slice %arg6[%dma_start3A_210, %dma_start3A_211] : memref<896x128xf32, #tpu.memory_space<vmem>> -> memref<128x128xf32, #tpu.memory_space<vmem>>
    tpu.enqueue_dma source(%dma_start3A_212 : memref<128x128xf32, #tpu.memory_space<vmem>>) target(%dma_start3A_209 : memref<128x128xf32, #tpu.memory_space<hbm>>) target_semaphore(%dma_start3A_207 : memref<!tpu.dma_semaphore, #tpu.memory_space<semaphore_mem>>)
    %dma_wait3A_213 = arith.constant 3 : i32
    %dma_wait3A_214 = arith.constant 384 : i32
    %dma_wait3A_215 = arith.constant 0 : i32
    %dma_wait3A_216 = tpu.memref_slice %arg6[%dma_wait3A_214, %dma_wait3A_215] : memref<896x128xf32, #tpu.memory_space<vmem>> -> memref<128x128xf32, #tpu.memory_space<vmem>>
    %dma_wait3A_217 = arith.constant 0 : i32
    %dma_wait3A_218 = arith.constant 0 : i32
    %dma_wait3A_219 = tpu.memref_slice %arg3[%dma_wait3A_217, %dma_wait3A_218] : memref<100000x128xf32, #tpu.memory_space<hbm>> -> memref<128x128xf32, #tpu.memory_space<hbm>>
    %dma_wait3A_220 = tpu.memref_slice %arg7[%dma_wait3A_213] : memref<7x!tpu.dma_semaphore, #tpu.memory_space<semaphore_mem>> -> memref<1x!tpu.dma_semaphore, #tpu.memory_space<semaphore_mem>>
    %dma_wait3A_221 = tpu.memref_squeeze %dma_wait3A_220 : memref<1x!tpu.dma_semaphore, #tpu.memory_space<semaphore_mem>> -> memref<!tpu.dma_semaphore, #tpu.memory_space<semaphore_mem>>
    %dma_wait3A_222 = arith.constant 384 : i32
    %dma_wait3A_223 = arith.constant 0 : i32
    %dma_wait3A_224 = tpu.memref_slice %arg6[%dma_wait3A_222, %dma_wait3A_223] : memref<896x128xf32, #tpu.memory_space<vmem>> -> memref<128x128xf32, #tpu.memory_space<vmem>>
    %dma_wait3A_225 = arith.constant 0 : i32
    %dma_wait3A_226 = arith.constant 0 : i32
    %dma_wait3A_227 = tpu.memref_slice %arg3[%dma_wait3A_225, %dma_wait3A_226] : memref<100000x128xf32, #tpu.memory_space<hbm>> -> memref<128x128xf32, #tpu.memory_space<hbm>>
    tpu.wait_dma2 semaphore(%dma_wait3A_221 : memref<!tpu.dma_semaphore, #tpu.memory_space<semaphore_mem>>) src(%dma_wait3A_227 : memref<128x128xf32, #tpu.memory_space<hbm>>) dst(%dma_wait3A_224 : memref<128x128xf32, #tpu.memory_space<vmem>>)
    %add3A_228 = arith.constant 5760 : i32
    %add3A_229 = arith.addi %mul3A_2, %add3A_228 : i32
    %dma_start3A_230 = arith.constant 3 : i32
    %dma_start3A_231 = arith.constant 384 : i32
    %dma_start3A_232 = arith.constant 0 : i32
    %dma_start3A_233 = tpu.memref_slice %arg6[%dma_start3A_231, %dma_start3A_232] : memref<896x128xf32, #tpu.memory_space<vmem>> -> memref<128x128xf32, #tpu.memory_space<vmem>>
    %dma_start3A_234 = arith.constant 0 : i32
    %dma_start3A_235 = tpu.memref_slice %arg4[%add3A_229, %dma_start3A_234] : memref<204800x128xf32, #tpu.memory_space<hbm>> -> memref<128x128xf32, #tpu.memory_space<hbm>>
    %dma_start3A_236 = tpu.memref_slice %arg8[%dma_start3A_230] : memref<7x!tpu.dma_semaphore, #tpu.memory_space<semaphore_mem>> -> memref<1x!tpu.dma_semaphore, #tpu.memory_space<semaphore_mem>>
    %dma_start3A_237 = tpu.memref_squeeze %dma_start3A_236 : memref<1x!tpu.dma_semaphore, #tpu.memory_space<semaphore_mem>> -> memref<!tpu.dma_semaphore, #tpu.memory_space<semaphore_mem>>
    %dma_start3A_238 = arith.constant 0 : i32
    %dma_start3A_239 = tpu.memref_slice %arg4[%add3A_229, %dma_start3A_238] : memref<204800x128xf32, #tpu.memory_space<hbm>> -> memref<128x128xf32, #tpu.memory_space<hbm>>
    %dma_start3A_240 = arith.constant 384 : i32
    %dma_start3A_241 = arith.constant 0 : i32
    %dma_start3A_242 = tpu.memref_slice %arg6[%dma_start3A_240, %dma_start3A_241] : memref<896x128xf32, #tpu.memory_space<vmem>> -> memref<128x128xf32, #tpu.memory_space<vmem>>
    tpu.enqueue_dma source(%dma_start3A_242 : memref<128x128xf32, #tpu.memory_space<vmem>>) target(%dma_start3A_239 : memref<128x128xf32, #tpu.memory_space<hbm>>) target_semaphore(%dma_start3A_237 : memref<!tpu.dma_semaphore, #tpu.memory_space<semaphore_mem>>)
    %dma_wait3A_243 = arith.constant 4 : i32
    %dma_wait3A_244 = arith.constant 512 : i32
    %dma_wait3A_245 = arith.constant 0 : i32
    %dma_wait3A_246 = tpu.memref_slice %arg6[%dma_wait3A_244, %dma_wait3A_245] : memref<896x128xf32, #tpu.memory_space<vmem>> -> memref<128x128xf32, #tpu.memory_space<vmem>>
    %dma_wait3A_247 = arith.constant 0 : i32
    %dma_wait3A_248 = arith.constant 0 : i32
    %dma_wait3A_249 = tpu.memref_slice %arg3[%dma_wait3A_247, %dma_wait3A_248] : memref<100000x128xf32, #tpu.memory_space<hbm>> -> memref<128x128xf32, #tpu.memory_space<hbm>>
    %dma_wait3A_250 = tpu.memref_slice %arg7[%dma_wait3A_243] : memref<7x!tpu.dma_semaphore, #tpu.memory_space<semaphore_mem>> -> memref<1x!tpu.dma_semaphore, #tpu.memory_space<semaphore_mem>>
    %dma_wait3A_251 = tpu.memref_squeeze %dma_wait3A_250 : memref<1x!tpu.dma_semaphore, #tpu.memory_space<semaphore_mem>> -> memref<!tpu.dma_semaphore, #tpu.memory_space<semaphore_mem>>
    %dma_wait3A_252 = arith.constant 512 : i32
    %dma_wait3A_253 = arith.constant 0 : i32
    %dma_wait3A_254 = tpu.memref_slice %arg6[%dma_wait3A_252, %dma_wait3A_253] : memref<896x128xf32, #tpu.memory_space<vmem>> -> memref<128x128xf32, #tpu.memory_space<vmem>>
    %dma_wait3A_255 = arith.constant 0 : i32
    %dma_wait3A_256 = arith.constant 0 : i32
    %dma_wait3A_257 = tpu.memref_slice %arg3[%dma_wait3A_255, %dma_wait3A_256] : memref<100000x128xf32, #tpu.memory_space<hbm>> -> memref<128x128xf32, #tpu.memory_space<hbm>>
    tpu.wait_dma2 semaphore(%dma_wait3A_251 : memref<!tpu.dma_semaphore, #tpu.memory_space<semaphore_mem>>) src(%dma_wait3A_257 : memref<128x128xf32, #tpu.memory_space<hbm>>) dst(%dma_wait3A_254 : memref<128x128xf32, #tpu.memory_space<vmem>>)
    %add3A_258 = arith.constant 5888 : i32
    %add3A_259 = arith.addi %mul3A_2, %add3A_258 : i32
    %dma_start3A_260 = arith.constant 4 : i32
    %dma_start3A_261 = arith.constant 512 : i32
    %dma_start3A_262 = arith.constant 0 : i32
    %dma_start3A_263 = tpu.memref_slice %arg6[%dma_start3A_261, %dma_start3A_262] : memref<896x128xf32, #tpu.memory_space<vmem>> -> memref<128x128xf32, #tpu.memory_space<vmem>>
    %dma_start3A_264 = arith.constant 0 : i32
    %dma_start3A_265 = tpu.memref_slice %arg4[%add3A_259, %dma_start3A_264] : memref<204800x128xf32, #tpu.memory_space<hbm>> -> memref<128x128xf32, #tpu.memory_space<hbm>>
    %dma_start3A_266 = tpu.memref_slice %arg8[%dma_start3A_260] : memref<7x!tpu.dma_semaphore, #tpu.memory_space<semaphore_mem>> -> memref<1x!tpu.dma_semaphore, #tpu.memory_space<semaphore_mem>>
    %dma_start3A_267 = tpu.memref_squeeze %dma_start3A_266 : memref<1x!tpu.dma_semaphore, #tpu.memory_space<semaphore_mem>> -> memref<!tpu.dma_semaphore, #tpu.memory_space<semaphore_mem>>
    %dma_start3A_268 = arith.constant 0 : i32
    %dma_start3A_269 = tpu.memref_slice %arg4[%add3A_259, %dma_start3A_268] : memref<204800x128xf32, #tpu.memory_space<hbm>> -> memref<128x128xf32, #tpu.memory_space<hbm>>
    %dma_start3A_270 = arith.constant 512 : i32
    %dma_start3A_271 = arith.constant 0 : i32
    %dma_start3A_272 = tpu.memref_slice %arg6[%dma_start3A_270, %dma_start3A_271] : memref<896x128xf32, #tpu.memory_space<vmem>> -> memref<128x128xf32, #tpu.memory_space<vmem>>
    tpu.enqueue_dma source(%dma_start3A_272 : memref<128x128xf32, #tpu.memory_space<vmem>>) target(%dma_start3A_269 : memref<128x128xf32, #tpu.memory_space<hbm>>) target_semaphore(%dma_start3A_267 : memref<!tpu.dma_semaphore, #tpu.memory_space<semaphore_mem>>)
    %dma_wait3A_273 = arith.constant 5 : i32
    %dma_wait3A_274 = arith.constant 640 : i32
    %dma_wait3A_275 = arith.constant 0 : i32
    %dma_wait3A_276 = tpu.memref_slice %arg6[%dma_wait3A_274, %dma_wait3A_275] : memref<896x128xf32, #tpu.memory_space<vmem>> -> memref<128x128xf32, #tpu.memory_space<vmem>>
    %dma_wait3A_277 = arith.constant 0 : i32
    %dma_wait3A_278 = arith.constant 0 : i32
    %dma_wait3A_279 = tpu.memref_slice %arg3[%dma_wait3A_277, %dma_wait3A_278] : memref<100000x128xf32, #tpu.memory_space<hbm>> -> memref<128x128xf32, #tpu.memory_space<hbm>>
    %dma_wait3A_280 = tpu.memref_slice %arg7[%dma_wait3A_273] : memref<7x!tpu.dma_semaphore, #tpu.memory_space<semaphore_mem>> -> memref<1x!tpu.dma_semaphore, #tpu.memory_space<semaphore_mem>>
    %dma_wait3A_281 = tpu.memref_squeeze %dma_wait3A_280 : memref<1x!tpu.dma_semaphore, #tpu.memory_space<semaphore_mem>> -> memref<!tpu.dma_semaphore, #tpu.memory_space<semaphore_mem>>
    %dma_wait3A_282 = arith.constant 640 : i32
    %dma_wait3A_283 = arith.constant 0 : i32
    %dma_wait3A_284 = tpu.memref_slice %arg6[%dma_wait3A_282, %dma_wait3A_283] : memref<896x128xf32, #tpu.memory_space<vmem>> -> memref<128x128xf32, #tpu.memory_space<vmem>>
    %dma_wait3A_285 = arith.constant 0 : i32
    %dma_wait3A_286 = arith.constant 0 : i32
    %dma_wait3A_287 = tpu.memref_slice %arg3[%dma_wait3A_285, %dma_wait3A_286] : memref<100000x128xf32, #tpu.memory_space<hbm>> -> memref<128x128xf32, #tpu.memory_space<hbm>>
    tpu.wait_dma2 semaphore(%dma_wait3A_281 : memref<!tpu.dma_semaphore, #tpu.memory_space<semaphore_mem>>) src(%dma_wait3A_287 : memref<128x128xf32, #tpu.memory_space<hbm>>) dst(%dma_wait3A_284 : memref<128x128xf32, #tpu.memory_space<vmem>>)
    %add3A_288 = arith.constant 6016 : i32
    %add3A_289 = arith.addi %mul3A_2, %add3A_288 : i32
    %dma_start3A_290 = arith.constant 5 : i32
    %dma_start3A_291 = arith.constant 640 : i32
    %dma_start3A_292 = arith.constant 0 : i32
    %dma_start3A_293 = tpu.memref_slice %arg6[%dma_start3A_291, %dma_start3A_292] : memref<896x128xf32, #tpu.memory_space<vmem>> -> memref<128x128xf32, #tpu.memory_space<vmem>>
    %dma_start3A_294 = arith.constant 0 : i32
    %dma_start3A_295 = tpu.memref_slice %arg4[%add3A_289, %dma_start3A_294] : memref<204800x128xf32, #tpu.memory_space<hbm>> -> memref<128x128xf32, #tpu.memory_space<hbm>>
    %dma_start3A_296 = tpu.memref_slice %arg8[%dma_start3A_290] : memref<7x!tpu.dma_semaphore, #tpu.memory_space<semaphore_mem>> -> memref<1x!tpu.dma_semaphore, #tpu.memory_space<semaphore_mem>>
    %dma_start3A_297 = tpu.memref_squeeze %dma_start3A_296 : memref<1x!tpu.dma_semaphore, #tpu.memory_space<semaphore_mem>> -> memref<!tpu.dma_semaphore, #tpu.memory_space<semaphore_mem>>
    %dma_start3A_298 = arith.constant 0 : i32
    %dma_start3A_299 = tpu.memref_slice %arg4[%add3A_289, %dma_start3A_298] : memref<204800x128xf32, #tpu.memory_space<hbm>> -> memref<128x128xf32, #tpu.memory_space<hbm>>
    %dma_start3A_300 = arith.constant 640 : i32
    %dma_start3A_301 = arith.constant 0 : i32
    %dma_start3A_302 = tpu.memref_slice %arg6[%dma_start3A_300, %dma_start3A_301] : memref<896x128xf32, #tpu.memory_space<vmem>> -> memref<128x128xf32, #tpu.memory_space<vmem>>
    tpu.enqueue_dma source(%dma_start3A_302 : memref<128x128xf32, #tpu.memory_space<vmem>>) target(%dma_start3A_299 : memref<128x128xf32, #tpu.memory_space<hbm>>) target_semaphore(%dma_start3A_297 : memref<!tpu.dma_semaphore, #tpu.memory_space<semaphore_mem>>)
    %dma_wait3A_303 = arith.constant 6 : i32
    %dma_wait3A_304 = arith.constant 768 : i32
    %dma_wait3A_305 = arith.constant 0 : i32
    %dma_wait3A_306 = tpu.memref_slice %arg6[%dma_wait3A_304, %dma_wait3A_305] : memref<896x128xf32, #tpu.memory_space<vmem>> -> memref<128x128xf32, #tpu.memory_space<vmem>>
    %dma_wait3A_307 = arith.constant 0 : i32
    %dma_wait3A_308 = arith.constant 0 : i32
    %dma_wait3A_309 = tpu.memref_slice %arg3[%dma_wait3A_307, %dma_wait3A_308] : memref<100000x128xf32, #tpu.memory_space<hbm>> -> memref<128x128xf32, #tpu.memory_space<hbm>>
    %dma_wait3A_310 = tpu.memref_slice %arg7[%dma_wait3A_303] : memref<7x!tpu.dma_semaphore, #tpu.memory_space<semaphore_mem>> -> memref<1x!tpu.dma_semaphore, #tpu.memory_space<semaphore_mem>>
    %dma_wait3A_311 = tpu.memref_squeeze %dma_wait3A_310 : memref<1x!tpu.dma_semaphore, #tpu.memory_space<semaphore_mem>> -> memref<!tpu.dma_semaphore, #tpu.memory_space<semaphore_mem>>
    %dma_wait3A_312 = arith.constant 768 : i32
    %dma_wait3A_313 = arith.constant 0 : i32
    %dma_wait3A_314 = tpu.memref_slice %arg6[%dma_wait3A_312, %dma_wait3A_313] : memref<896x128xf32, #tpu.memory_space<vmem>> -> memref<128x128xf32, #tpu.memory_space<vmem>>
    %dma_wait3A_315 = arith.constant 0 : i32
    %dma_wait3A_316 = arith.constant 0 : i32
    %dma_wait3A_317 = tpu.memref_slice %arg3[%dma_wait3A_315, %dma_wait3A_316] : memref<100000x128xf32, #tpu.memory_space<hbm>> -> memref<128x128xf32, #tpu.memory_space<hbm>>
    tpu.wait_dma2 semaphore(%dma_wait3A_311 : memref<!tpu.dma_semaphore, #tpu.memory_space<semaphore_mem>>) src(%dma_wait3A_317 : memref<128x128xf32, #tpu.memory_space<hbm>>) dst(%dma_wait3A_314 : memref<128x128xf32, #tpu.memory_space<vmem>>)
    %add3A_318 = arith.constant 6144 : i32
    %add3A_319 = arith.addi %mul3A_2, %add3A_318 : i32
    %dma_start3A_320 = arith.constant 6 : i32
    %dma_start3A_321 = arith.constant 768 : i32
    %dma_start3A_322 = arith.constant 0 : i32
    %dma_start3A_323 = tpu.memref_slice %arg6[%dma_start3A_321, %dma_start3A_322] : memref<896x128xf32, #tpu.memory_space<vmem>> -> memref<128x128xf32, #tpu.memory_space<vmem>>
    %dma_start3A_324 = arith.constant 0 : i32
    %dma_start3A_325 = tpu.memref_slice %arg4[%add3A_319, %dma_start3A_324] : memref<204800x128xf32, #tpu.memory_space<hbm>> -> memref<128x128xf32, #tpu.memory_space<hbm>>
    %dma_start3A_326 = tpu.memref_slice %arg8[%dma_start3A_320] : memref<7x!tpu.dma_semaphore, #tpu.memory_space<semaphore_mem>> -> memref<1x!tpu.dma_semaphore, #tpu.memory_space<semaphore_mem>>
    %dma_start3A_327 = tpu.memref_squeeze %dma_start3A_326 : memref<1x!tpu.dma_semaphore, #tpu.memory_space<semaphore_mem>> -> memref<!tpu.dma_semaphore, #tpu.memory_space<semaphore_mem>>
    %dma_start3A_328 = arith.constant 0 : i32
    %dma_start3A_329 = tpu.memref_slice %arg4[%add3A_319, %dma_start3A_328] : memref<204800x128xf32, #tpu.memory_space<hbm>> -> memref<128x128xf32, #tpu.memory_space<hbm>>
    %dma_start3A_330 = arith.constant 768 : i32
    %dma_start3A_331 = arith.constant 0 : i32
    %dma_start3A_332 = tpu.memref_slice %arg6[%dma_start3A_330, %dma_start3A_331] : memref<896x128xf32, #tpu.memory_space<vmem>> -> memref<128x128xf32, #tpu.memory_space<vmem>>
    tpu.enqueue_dma source(%dma_start3A_332 : memref<128x128xf32, #tpu.memory_space<vmem>>) target(%dma_start3A_329 : memref<128x128xf32, #tpu.memory_space<hbm>>) target_semaphore(%dma_start3A_327 : memref<!tpu.dma_semaphore, #tpu.memory_space<semaphore_mem>>)
    %dma_wait3A_333 = arith.constant 0 : i32
    %dma_wait3A_334 = arith.constant 0 : i32
    %dma_wait3A_335 = arith.constant 0 : i32
    %dma_wait3A_336 = tpu.memref_slice %arg6[%dma_wait3A_334, %dma_wait3A_335] : memref<896x128xf32, #tpu.memory_space<vmem>> -> memref<128x128xf32, #tpu.memory_space<vmem>>
    %dma_wait3A_337 = arith.constant 0 : i32
    %dma_wait3A_338 = arith.constant 0 : i32
    %dma_wait3A_339 = tpu.memref_slice %arg3[%dma_wait3A_337, %dma_wait3A_338] : memref<100000x128xf32, #tpu.memory_space<hbm>> -> memref<128x128xf32, #tpu.memory_space<hbm>>
    %dma_wait3A_340 = tpu.memref_slice %arg7[%dma_wait3A_333] : memref<7x!tpu.dma_semaphore, #tpu.memory_space<semaphore_mem>> -> memref<1x!tpu.dma_semaphore, #tpu.memory_space<semaphore_mem>>
    %dma_wait3A_341 = tpu.memref_squeeze %dma_wait3A_340 : memref<1x!tpu.dma_semaphore, #tpu.memory_space<semaphore_mem>> -> memref<!tpu.dma_semaphore, #tpu.memory_space<semaphore_mem>>
    %dma_wait3A_342 = arith.constant 0 : i32
    %dma_wait3A_343 = arith.constant 0 : i32
    %dma_wait3A_344 = tpu.memref_slice %arg6[%dma_wait3A_342, %dma_wait3A_343] : memref<896x128xf32, #tpu.memory_space<vmem>> -> memref<128x128xf32, #tpu.memory_space<vmem>>
    %dma_wait3A_345 = arith.constant 0 : i32
    %dma_wait3A_346 = arith.constant 0 : i32
    %dma_wait3A_347 = tpu.memref_slice %arg3[%dma_wait3A_345, %dma_wait3A_346] : memref<100000x128xf32, #tpu.memory_space<hbm>> -> memref<128x128xf32, #tpu.memory_space<hbm>>
    tpu.wait_dma2 semaphore(%dma_wait3A_341 : memref<!tpu.dma_semaphore, #tpu.memory_space<semaphore_mem>>) src(%dma_wait3A_347 : memref<128x128xf32, #tpu.memory_space<hbm>>) dst(%dma_wait3A_344 : memref<128x128xf32, #tpu.memory_space<vmem>>)
    %add3A_348 = arith.constant 6272 : i32
    %add3A_349 = arith.addi %mul3A_2, %add3A_348 : i32
    %dma_start3A_350 = arith.constant 0 : i32
    %dma_start3A_351 = arith.constant 0 : i32
    %dma_start3A_352 = arith.constant 0 : i32
    %dma_start3A_353 = tpu.memref_slice %arg6[%dma_start3A_351, %dma_start3A_352] : memref<896x128xf32, #tpu.memory_space<vmem>> -> memref<128x128xf32, #tpu.memory_space<vmem>>
    %dma_start3A_354 = arith.constant 0 : i32
    %dma_start3A_355 = tpu.memref_slice %arg4[%add3A_349, %dma_start3A_354] : memref<204800x128xf32, #tpu.memory_space<hbm>> -> memref<128x128xf32, #tpu.memory_space<hbm>>
    %dma_start3A_356 = tpu.memref_slice %arg8[%dma_start3A_350] : memref<7x!tpu.dma_semaphore, #tpu.memory_space<semaphore_mem>> -> memref<1x!tpu.dma_semaphore, #tpu.memory_space<semaphore_mem>>
    %dma_start3A_357 = tpu.memref_squeeze %dma_start3A_356 : memref<1x!tpu.dma_semaphore, #tpu.memory_space<semaphore_mem>> -> memref<!tpu.dma_semaphore, #tpu.memory_space<semaphore_mem>>
    %dma_start3A_358 = arith.constant 0 : i32
    %dma_start3A_359 = tpu.memref_slice %arg4[%add3A_349, %dma_start3A_358] : memref<204800x128xf32, #tpu.memory_space<hbm>> -> memref<128x128xf32, #tpu.memory_space<hbm>>
    %dma_start3A_360 = arith.constant 0 : i32
    %dma_start3A_361 = arith.constant 0 : i32
    %dma_start3A_362 = tpu.memref_slice %arg6[%dma_start3A_360, %dma_start3A_361] : memref<896x128xf32, #tpu.memory_space<vmem>> -> memref<128x128xf32, #tpu.memory_space<vmem>>
    tpu.enqueue_dma source(%dma_start3A_362 : memref<128x128xf32, #tpu.memory_space<vmem>>) target(%dma_start3A_359 : memref<128x128xf32, #tpu.memory_space<hbm>>) target_semaphore(%dma_start3A_357 : memref<!tpu.dma_semaphore, #tpu.memory_space<semaphore_mem>>)
    %dma_wait3A_363 = arith.constant 1 : i32
    %dma_wait3A_364 = arith.constant 128 : i32
    %dma_wait3A_365 = arith.constant 0 : i32
    %dma_wait3A_366 = tpu.memref_slice %arg6[%dma_wait3A_364, %dma_wait3A_365] : memref<896x128xf32, #tpu.memory_space<vmem>> -> memref<128x128xf32, #tpu.memory_space<vmem>>
    %dma_wait3A_367 = arith.constant 0 : i32
    %dma_wait3A_368 = tpu.memref_slice %arg4[%mul3A_2, %dma_wait3A_367] : memref<204800x128xf32, #tpu.memory_space<hbm>> -> memref<128x128xf32, #tpu.memory_space<hbm>>
    %dma_wait3A_369 = tpu.memref_slice %arg8[%dma_wait3A_363] : memref<7x!tpu.dma_semaphore, #tpu.memory_space<semaphore_mem>> -> memref<1x!tpu.dma_semaphore, #tpu.memory_space<semaphore_mem>>
    %dma_wait3A_370 = tpu.memref_squeeze %dma_wait3A_369 : memref<1x!tpu.dma_semaphore, #tpu.memory_space<semaphore_mem>> -> memref<!tpu.dma_semaphore, #tpu.memory_space<semaphore_mem>>
    %dma_wait3A_371 = arith.constant 0 : i32
    %dma_wait3A_372 = tpu.memref_slice %arg4[%mul3A_2, %dma_wait3A_371] : memref<204800x128xf32, #tpu.memory_space<hbm>> -> memref<128x128xf32, #tpu.memory_space<hbm>>
    %dma_wait3A_373 = arith.constant 128 : i32
    %dma_wait3A_374 = arith.constant 0 : i32
    %dma_wait3A_375 = tpu.memref_slice %arg6[%dma_wait3A_373, %dma_wait3A_374] : memref<896x128xf32, #tpu.memory_space<vmem>> -> memref<128x128xf32, #tpu.memory_space<vmem>>
    tpu.wait_dma2 semaphore(%dma_wait3A_370 : memref<!tpu.dma_semaphore, #tpu.memory_space<semaphore_mem>>) src(%dma_wait3A_375 : memref<128x128xf32, #tpu.memory_space<vmem>>) dst(%dma_wait3A_372 : memref<128x128xf32, #tpu.memory_space<hbm>>)
    %dma_wait3A_376 = arith.constant 2 : i32
    %dma_wait3A_377 = arith.constant 256 : i32
    %dma_wait3A_378 = arith.constant 0 : i32
    %dma_wait3A_379 = tpu.memref_slice %arg6[%dma_wait3A_377, %dma_wait3A_378] : memref<896x128xf32, #tpu.memory_space<vmem>> -> memref<128x128xf32, #tpu.memory_space<vmem>>
    %dma_wait3A_380 = arith.constant 0 : i32
    %dma_wait3A_381 = tpu.memref_slice %arg4[%mul3A_2, %dma_wait3A_380] : memref<204800x128xf32, #tpu.memory_space<hbm>> -> memref<128x128xf32, #tpu.memory_space<hbm>>
    %dma_wait3A_382 = tpu.memref_slice %arg8[%dma_wait3A_376] : memref<7x!tpu.dma_semaphore, #tpu.memory_space<semaphore_mem>> -> memref<1x!tpu.dma_semaphore, #tpu.memory_space<semaphore_mem>>
    %dma_wait3A_383 = tpu.memref_squeeze %dma_wait3A_382 : memref<1x!tpu.dma_semaphore, #tpu.memory_space<semaphore_mem>> -> memref<!tpu.dma_semaphore, #tpu.memory_space<semaphore_mem>>
    %dma_wait3A_384 = arith.constant 0 : i32
    %dma_wait3A_385 = tpu.memref_slice %arg4[%mul3A_2, %dma_wait3A_384] : memref<204800x128xf32, #tpu.memory_space<hbm>> -> memref<128x128xf32, #tpu.memory_space<hbm>>
    %dma_wait3A_386 = arith.constant 256 : i32
    %dma_wait3A_387 = arith.constant 0 : i32
    %dma_wait3A_388 = tpu.memref_slice %arg6[%dma_wait3A_386, %dma_wait3A_387] : memref<896x128xf32, #tpu.memory_space<vmem>> -> memref<128x128xf32, #tpu.memory_space<vmem>>
    tpu.wait_dma2 semaphore(%dma_wait3A_383 : memref<!tpu.dma_semaphore, #tpu.memory_space<semaphore_mem>>) src(%dma_wait3A_388 : memref<128x128xf32, #tpu.memory_space<vmem>>) dst(%dma_wait3A_385 : memref<128x128xf32, #tpu.memory_space<hbm>>)
    %dma_wait3A_389 = arith.constant 3 : i32
    %dma_wait3A_390 = arith.constant 384 : i32
    %dma_wait3A_391 = arith.constant 0 : i32
    %dma_wait3A_392 = tpu.memref_slice %arg6[%dma_wait3A_390, %dma_wait3A_391] : memref<896x128xf32, #tpu.memory_space<vmem>> -> memref<128x128xf32, #tpu.memory_space<vmem>>
    %dma_wait3A_393 = arith.constant 0 : i32
    %dma_wait3A_394 = tpu.memref_slice %arg4[%mul3A_2, %dma_wait3A_393] : memref<204800x128xf32, #tpu.memory_space<hbm>> -> memref<128x128xf32, #tpu.memory_space<hbm>>
    %dma_wait3A_395 = tpu.memref_slice %arg8[%dma_wait3A_389] : memref<7x!tpu.dma_semaphore, #tpu.memory_space<semaphore_mem>> -> memref<1x!tpu.dma_semaphore, #tpu.memory_space<semaphore_mem>>
    %dma_wait3A_396 = tpu.memref_squeeze %dma_wait3A_395 : memref<1x!tpu.dma_semaphore, #tpu.memory_space<semaphore_mem>> -> memref<!tpu.dma_semaphore, #tpu.memory_space<semaphore_mem>>
    %dma_wait3A_397 = arith.constant 0 : i32
    %dma_wait3A_398 = tpu.memref_slice %arg4[%mul3A_2, %dma_wait3A_397] : memref<204800x128xf32, #tpu.memory_space<hbm>> -> memref<128x128xf32, #tpu.memory_space<hbm>>
    %dma_wait3A_399 = arith.constant 384 : i32
    %dma_wait3A_400 = arith.constant 0 : i32
    %dma_wait3A_401 = tpu.memref_slice %arg6[%dma_wait3A_399, %dma_wait3A_400] : memref<896x128xf32, #tpu.memory_space<vmem>> -> memref<128x128xf32, #tpu.memory_space<vmem>>
    tpu.wait_dma2 semaphore(%dma_wait3A_396 : memref<!tpu.dma_semaphore, #tpu.memory_space<semaphore_mem>>) src(%dma_wait3A_401 : memref<128x128xf32, #tpu.memory_space<vmem>>) dst(%dma_wait3A_398 : memref<128x128xf32, #tpu.memory_space<hbm>>)
    %dma_wait3A_402 = arith.constant 4 : i32
    %dma_wait3A_403 = arith.constant 512 : i32
    %dma_wait3A_404 = arith.constant 0 : i32
    %dma_wait3A_405 = tpu.memref_slice %arg6[%dma_wait3A_403, %dma_wait3A_404] : memref<896x128xf32, #tpu.memory_space<vmem>> -> memref<128x128xf32, #tpu.memory_space<vmem>>
    %dma_wait3A_406 = arith.constant 0 : i32
    %dma_wait3A_407 = tpu.memref_slice %arg4[%mul3A_2, %dma_wait3A_406] : memref<204800x128xf32, #tpu.memory_space<hbm>> -> memref<128x128xf32, #tpu.memory_space<hbm>>
    %dma_wait3A_408 = tpu.memref_slice %arg8[%dma_wait3A_402] : memref<7x!tpu.dma_semaphore, #tpu.memory_space<semaphore_mem>> -> memref<1x!tpu.dma_semaphore, #tpu.memory_space<semaphore_mem>>
    %dma_wait3A_409 = tpu.memref_squeeze %dma_wait3A_408 : memref<1x!tpu.dma_semaphore, #tpu.memory_space<semaphore_mem>> -> memref<!tpu.dma_semaphore, #tpu.memory_space<semaphore_mem>>
    %dma_wait3A_410 = arith.constant 0 : i32
    %dma_wait3A_411 = tpu.memref_slice %arg4[%mul3A_2, %dma_wait3A_410] : memref<204800x128xf32, #tpu.memory_space<hbm>> -> memref<128x128xf32, #tpu.memory_space<hbm>>
    %dma_wait3A_412 = arith.constant 512 : i32
    %dma_wait3A_413 = arith.constant 0 : i32
    %dma_wait3A_414 = tpu.memref_slice %arg6[%dma_wait3A_412, %dma_wait3A_413] : memref<896x128xf32, #tpu.memory_space<vmem>> -> memref<128x128xf32, #tpu.memory_space<vmem>>
    tpu.wait_dma2 semaphore(%dma_wait3A_409 : memref<!tpu.dma_semaphore, #tpu.memory_space<semaphore_mem>>) src(%dma_wait3A_414 : memref<128x128xf32, #tpu.memory_space<vmem>>) dst(%dma_wait3A_411 : memref<128x128xf32, #tpu.memory_space<hbm>>)
    %dma_wait3A_415 = arith.constant 5 : i32
    %dma_wait3A_416 = arith.constant 640 : i32
    %dma_wait3A_417 = arith.constant 0 : i32
    %dma_wait3A_418 = tpu.memref_slice %arg6[%dma_wait3A_416, %dma_wait3A_417] : memref<896x128xf32, #tpu.memory_space<vmem>> -> memref<128x128xf32, #tpu.memory_space<vmem>>
    %dma_wait3A_419 = arith.constant 0 : i32
    %dma_wait3A_420 = tpu.memref_slice %arg4[%mul3A_2, %dma_wait3A_419] : memref<204800x128xf32, #tpu.memory_space<hbm>> -> memref<128x128xf32, #tpu.memory_space<hbm>>
    %dma_wait3A_421 = tpu.memref_slice %arg8[%dma_wait3A_415] : memref<7x!tpu.dma_semaphore, #tpu.memory_space<semaphore_mem>> -> memref<1x!tpu.dma_semaphore, #tpu.memory_space<semaphore_mem>>
    %dma_wait3A_422 = tpu.memref_squeeze %dma_wait3A_421 : memref<1x!tpu.dma_semaphore, #tpu.memory_space<semaphore_mem>> -> memref<!tpu.dma_semaphore, #tpu.memory_space<semaphore_mem>>
    %dma_wait3A_423 = arith.constant 0 : i32
    %dma_wait3A_424 = tpu.memref_slice %arg4[%mul3A_2, %dma_wait3A_423] : memref<204800x128xf32, #tpu.memory_space<hbm>> -> memref<128x128xf32, #tpu.memory_space<hbm>>
    %dma_wait3A_425 = arith.constant 640 : i32
    %dma_wait3A_426 = arith.constant 0 : i32
    %dma_wait3A_427 = tpu.memref_slice %arg6[%dma_wait3A_425, %dma_wait3A_426] : memref<896x128xf32, #tpu.memory_space<vmem>> -> memref<128x128xf32, #tpu.memory_space<vmem>>
    tpu.wait_dma2 semaphore(%dma_wait3A_422 : memref<!tpu.dma_semaphore, #tpu.memory_space<semaphore_mem>>) src(%dma_wait3A_427 : memref<128x128xf32, #tpu.memory_space<vmem>>) dst(%dma_wait3A_424 : memref<128x128xf32, #tpu.memory_space<hbm>>)
    %dma_wait3A_428 = arith.constant 6 : i32
    %dma_wait3A_429 = arith.constant 768 : i32
    %dma_wait3A_430 = arith.constant 0 : i32
    %dma_wait3A_431 = tpu.memref_slice %arg6[%dma_wait3A_429, %dma_wait3A_430] : memref<896x128xf32, #tpu.memory_space<vmem>> -> memref<128x128xf32, #tpu.memory_space<vmem>>
    %dma_wait3A_432 = arith.constant 0 : i32
    %dma_wait3A_433 = tpu.memref_slice %arg4[%mul3A_2, %dma_wait3A_432] : memref<204800x128xf32, #tpu.memory_space<hbm>> -> memref<128x128xf32, #tpu.memory_space<hbm>>
    %dma_wait3A_434 = tpu.memref_slice %arg8[%dma_wait3A_428] : memref<7x!tpu.dma_semaphore, #tpu.memory_space<semaphore_mem>> -> memref<1x!tpu.dma_semaphore, #tpu.memory_space<semaphore_mem>>
    %dma_wait3A_435 = tpu.memref_squeeze %dma_wait3A_434 : memref<1x!tpu.dma_semaphore, #tpu.memory_space<semaphore_mem>> -> memref<!tpu.dma_semaphore, #tpu.memory_space<semaphore_mem>>
    %dma_wait3A_436 = arith.constant 0 : i32
    %dma_wait3A_437 = tpu.memref_slice %arg4[%mul3A_2, %dma_wait3A_436] : memref<204800x128xf32, #tpu.memory_space<hbm>> -> memref<128x128xf32, #tpu.memory_space<hbm>>
    %dma_wait3A_438 = arith.constant 768 : i32
    %dma_wait3A_439 = arith.constant 0 : i32
    %dma_wait3A_440 = tpu.memref_slice %arg6[%dma_wait3A_438, %dma_wait3A_439] : memref<896x128xf32, #tpu.memory_space<vmem>> -> memref<128x128xf32, #tpu.memory_space<vmem>>
    tpu.wait_dma2 semaphore(%dma_wait3A_435 : memref<!tpu.dma_semaphore, #tpu.memory_space<semaphore_mem>>) src(%dma_wait3A_440 : memref<128x128xf32, #tpu.memory_space<vmem>>) dst(%dma_wait3A_437 : memref<128x128xf32, #tpu.memory_space<hbm>>)
    %dma_wait3A_441 = arith.constant 0 : i32
    %dma_wait3A_442 = arith.constant 0 : i32
    %dma_wait3A_443 = arith.constant 0 : i32
    %dma_wait3A_444 = tpu.memref_slice %arg6[%dma_wait3A_442, %dma_wait3A_443] : memref<896x128xf32, #tpu.memory_space<vmem>> -> memref<128x128xf32, #tpu.memory_space<vmem>>
    %dma_wait3A_445 = arith.constant 0 : i32
    %dma_wait3A_446 = tpu.memref_slice %arg4[%mul3A_2, %dma_wait3A_445] : memref<204800x128xf32, #tpu.memory_space<hbm>> -> memref<128x128xf32, #tpu.memory_space<hbm>>
    %dma_wait3A_447 = tpu.memref_slice %arg8[%dma_wait3A_441] : memref<7x!tpu.dma_semaphore, #tpu.memory_space<semaphore_mem>> -> memref<1x!tpu.dma_semaphore, #tpu.memory_space<semaphore_mem>>
    %dma_wait3A_448 = tpu.memref_squeeze %dma_wait3A_447 : memref<1x!tpu.dma_semaphore, #tpu.memory_space<semaphore_mem>> -> memref<!tpu.dma_semaphore, #tpu.memory_space<semaphore_mem>>
    %dma_wait3A_449 = arith.constant 0 : i32
    %dma_wait3A_450 = tpu.memref_slice %arg4[%mul3A_2, %dma_wait3A_449] : memref<204800x128xf32, #tpu.memory_space<hbm>> -> memref<128x128xf32, #tpu.memory_space<hbm>>
    %dma_wait3A_451 = arith.constant 0 : i32
    %dma_wait3A_452 = arith.constant 0 : i32
    %dma_wait3A_453 = tpu.memref_slice %arg6[%dma_wait3A_451, %dma_wait3A_452] : memref<896x128xf32, #tpu.memory_space<vmem>> -> memref<128x128xf32, #tpu.memory_space<vmem>>
    tpu.wait_dma2 semaphore(%dma_wait3A_448 : memref<!tpu.dma_semaphore, #tpu.memory_space<semaphore_mem>>) src(%dma_wait3A_453 : memref<128x128xf32, #tpu.memory_space<vmem>>) dst(%dma_wait3A_450 : memref<128x128xf32, #tpu.memory_space<hbm>>)
    return
  }
}

</mosaic_0001>

<sc_bundles>
// kernel: kernel.3.cloned.1.call-start
scs
__scs_entry_jumppad:
0x0: {  	(pc) =	sbr.rel $0x88, $3  }
0x1: {  	(tag) =	ssettag $0x0;
	lr =	simm.s32 $0x1  }
0x2: {  	[smem:$0x3F9F] =	sst lr;
	_ =	strace $0xD0000000  }
0x3: {  	_ = 	snop  }
0x4: {  	_ = 	snop  }
0x5: {  	_ = 	snop  }
0x6: {  	_ = 	snop  }
0x7: {  	_ = 	snop  }
__scs_overlays_trampoline_lowered:
0x8: {  	[smem:$0x3FAE] =	sst s0  }
0x9: {  	[smem:$0x3FAF] =	sst s1  }
0xa: {  	[smem:$0x3FB0] =	sst s2  }
0xb: {  	[smem:$0x3FB1] =	sst s3  }
0xc: {  	[smem:$0x3FB2] =	sst s4  }
0xd: {  	[smem:$0x3FB3] =	sst s5  }
0xe: {  	[smem:$0x3FB4] =	sst s6  }
0xf: {  	[smem:$0x3FB5] =	sst s7  }
0x10: {  	[smem:$0x3FB6] =	sst s8  }
0x11: {  	[smem:$0x3FB7] =	sst s9;
	s0 =	simm.s32 @!p0 $0x0  }
0x12: {  	s1 =	sld [smem:$0x3F9D];
	s0 =	simm.s32 @p0 $0x1  }
0x13: {  	[smem:$0x3FB8] =	sst s0;
	s0 =	simm.s32 @!p1 $0x0  }
0x14: {  	s2 =	sld [smem:$0x3F9C];
	s0 =	simm.s32 @p1 $0x1  }
0x15: {  	[smem:$0x3FB9] =	sst s0;
	s0 =	simm.s32 @!p2 $0x0  }
0x16: {  	s3 =	sld [smem:$0x3FDB];
	s0 =	simm.s32 @p2 $0x1  }
0x17: {  	s4 =	simm.s32 $0x1BF5;
	[smem:$0x3FBB] =	sst s0  }
0x18: {  	s0 =	sld [smem:$0x3F9E];
	_ =	swait.ge [sflag:s4], $0x0  }
0x19: {  	s7 =	sld [smem:$0x3F9F]  }
0x1a: {  	s8 =	sadd.s32 $0xFFFFE003, lr  }
0x1b: {  	s9 =	sadd.s32 $0xFFFFFEF7, lr;
	s5 =	simm.s32 $0xFFFFFFFF;
	p2 =	slt.u32 s8, $0xFFFFF086  }
0x1c: {  	p1 =	slt.u32 s9, $0xF7A;
	s5 =	simm.s32 @!p2 $0x0  }
0x1d: {  	s5 =	simm.s32 @p1 $0x1;
	p0 =	seq.s32 s7, s2  }
0x1e: {  	s7 =	smul.u32 @!p0 $0xF7A, s2;
	p2 =	seq.s32 @!p0 s5, $0x0  }
0x1f: {  	s9 =	smul.u32 $0xF7A, s1;
	s8 =	simm.s32 @!p0 $0x1BF5;
	p2 =	por !p2, p0  }
0x20: {  	[sflag:s8] =	ssyncset.s32 @!p0 $0xFFFFF086;
	s6 =	sadd.s32 @!p0 s3, s7;
	s7 =	simm.s32 @!p0 $0x108  }
0x21: {  	s3 =	sadd.s32 s3, s9;
	s6 =	sadd.s32 @!p0 $0x88, s6;
	s7 =	simm.s32 @p2 $0x1082  }
0x22: {  	[simem:s7], [sflag:s8] =	dma.local @!p0 [hbm:s6], $0xF7A  }
0x23: {  	s9 =	sor.u32 $0xD0000000, s2;
	s6 =	simm.s32 $0x108;
	_ =	swait.ge @!p0 [sflag:s8], $0x0  }
0x24: {  	s3 =	sadd.s32 $0x88, s3;
	s6 =	simm.s32 @!p1 $0x1082;
	[sflag:s4] =	ssyncset.s32 $0xFFFFF086  }
0x25: {  	[simem:s6], [sflag:s4] =	dma.local [hbm:s3], $0xF7A  }
0x26: {  	[smem:$0x3F9F] =	sst s1;
	(tag) =	ssettag s2;
	_ =	strace s9  }
0x27: {  	s1 =	sld [smem:$0x3FAF]  }
0x28: {  	s2 =	sld [smem:$0x3FB0]  }
0x29: {  	s4 =	sld [smem:$0x3FB2]  }
0x2a: {  	p0 =	seq.s32 s5, $0x0;
	s5 =	sld [smem:$0x3FB3]  }
0x2b: {  	s6 =	sld [smem:$0x3FB4]  }
0x2c: {  	s7 =	sld [smem:$0x3FB5]  }
0x2d: {  	s3 =	simm.s32 $0x108;
	s8 =	sld [smem:$0x3FB6]  }
0x2e: {  	s3 =	simm.s32 @!p0 $0x1082;
	s9 =	sld [smem:$0x3FB7]  }
0x2f: {  	lr =	sadd.s32 s0, s3;
	s0 =	sld [smem:$0x3FAE]  }
0x30: {  	s3 =	sld [smem:$0x3FB1]  }
0x31: {  	[smem:$0x3FBA] =	sst s10  }
0x32: {  	s10 =	sld [smem:$0x3FB8];
	_ =	sdelay $0x3  }
0x33: {  	p0 =	seq.s32 s10, $0x1;
	s10 =	sld [smem:$0x3FBA];
	_ =	sdelay $0x3  }
0x34: {  	[smem:$0x3FBA] =	sst s10  }
0x35: {  	s10 =	sld [smem:$0x3FB9];
	_ =	sdelay $0x3  }
0x36: {  	p1 =	seq.s32 s10, $0x1;
	s10 =	sld [smem:$0x3FBA];
	_ =	sdelay $0x3  }
0x37: {  	[smem:$0x3FBA] =	sst s10  }
0x38: {  	s10 =	sld [smem:$0x3FBB]  }
0x39: {  	_ = 	snop;
	(pc) =	sbr.ind lr, $3  }
0x3a: {  	_ = 	snop  }
0x3b: {  	_ = 	snop  }
0x3c: {  	p2 =	seq.s32 s10, $0x1;
	s10 =	sld [smem:$0x3FBA]  }
0x3d: {  	_ =	shalt  }
0x3e: {  	_ =	shalt  }
0x3f: {  	_ =	shalt  }
0x40: {  	_ =	shalt  }
0x41: {  	_ =	shalt  }
0x42: {  	_ =	shalt  }
0x43: {  	_ =	shalt  }
0x44: {  	_ =	shalt  }
0x45: {  	_ =	shalt  }
0x46: {  	_ =	shalt  }
0x47: {  	_ =	shalt  }
0x48: {  	_ =	shalt  }
0x49: {  	_ =	shalt  }
0x4a: {  	_ =	shalt  }
0x4b: {  	_ =	shalt  }
0x4c: {  	_ =	shalt  }
0x4d: {  	_ =	shalt  }
0x4e: {  	_ =	shalt  }
0x4f: {  	_ =	shalt  }
0x50: {  	_ =	shalt  }
0x51: {  	_ =	shalt  }
0x52: {  	_ =	shalt  }
0x53: {  	_ =	shalt  }
0x54: {  	_ =	shalt  }
0x55: {  	_ =	shalt  }
0x56: {  	_ =	shalt  }
0x57: {  	_ =	shalt  }
0x58: {  	_ =	shalt  }
0x59: {  	_ =	shalt  }
0x5a: {  	_ =	shalt  }
0x5b: {  	_ =	shalt  }
0x5c: {  	_ =	shalt  }
0x5d: {  	_ =	shalt  }
0x5e: {  	_ =	shalt  }
0x5f: {  	_ =	shalt  }
0x60: {  	_ =	shalt  }
0x61: {  	_ =	shalt  }
0x62: {  	_ =	shalt  }
0x63: {  	_ =	shalt  }
0x64: {  	_ =	shalt  }
0x65: {  	_ =	shalt  }
0x66: {  	_ =	shalt  }
0x67: {  	_ =	shalt  }
0x68: {  	_ =	shalt  }
0x69: {  	_ =	shalt  }
0x6a: {  	_ =	shalt  }
0x6b: {  	_ =	shalt  }
0x6c: {  	_ =	shalt  }
0x6d: {  	_ =	shalt  }
0x6e: {  	_ =	shalt  }
0x6f: {  	_ =	shalt  }
0x70: {  	_ =	shalt  }
0x71: {  	_ =	shalt  }
0x72: {  	_ =	shalt  }
0x73: {  	_ =	shalt  }
0x74: {  	_ =	shalt  }
0x75: {  	_ =	shalt  }
0x76: {  	_ =	shalt  }
0x77: {  	_ =	shalt  }
0x78: {  	_ =	shalt  }
0x79: {  	_ =	shalt  }
0x7a: {  	_ =	shalt  }
0x7b: {  	_ =	shalt  }
0x7c: {  	_ =	shalt  }
0x7d: {  	_ =	shalt  }
0x7e: {  	_ =	shalt  }
0x7f: {  	_ =	shalt  }
0x80: {  	_ =	shalt  }
0x81: {  	_ =	shalt  }
0x82: {  	_ =	shalt  }
0x83: {  	_ =	shalt  }
0x84: {  	_ =	shalt  }
0x85: {  	_ =	shalt  }
0x86: {  	_ =	shalt  }
0x87: {  	_ =	shalt  }
.Lfunc_end0:
.L_simem_size_0:
called_computation_lowered:
.L_overlay_start_0:
0x88: {  	s2 =	sld [smem:$0x3FD9]  }
0x89: {  	s3 =	sld [smem:$0x3FFE];
	_ =	sdelay $0x1  }
0x8a: {  	s1 =	srdreg.scid  }
0x8b: {  	s0 =	sand.u32 $0x1, s1  }
0x8c: {  	s17 =	sshll.u32 s0, $0xA;
	s2 =	sadd.s32 s3, s2  }
0x8d: {  	s2 =	sadd.s32 s2, s17  }
0x8e: {  	[smem:$0x3FC6] =	sst s2  }
0x8f: {  	_ = 	snop  }
0x90: {  	s2 =	sld [smem:$0x3FC8]  }
0x91: {  	s18 =	sld [smem:$0x3FD0];
	(tm) =	ssettm $0x1  }
0x92: {  	s4 =	sld [smem:$0x3FFB];
	_ =	sdelay $0x3  }
0x93: {  	_ =	strace s4  }
0x94: {  	s4 =	sld [smem:$0x3FFC];
	_ =	sdelay $0x3  }
0x95: {  	_ =	strace s4  }
0x96: {  	s4 =	sld [smem:$0x3FFD];
	_ =	sdelay $0x3  }
0x97: {  	_ =	strace s4  }
0x98: {  	_ =	strace $0x8FFFFFFF  }
0x99: {  	s19 =	sld [smem:$0x3FDB];
	_ =	sdelay $0x1  }
0x9a: {  	s5 =	simm.s32 $_scs_section_size  }
0x9b: {  	s6 =	simm.s32 $_size__tile_overlayer_lowered;
	s7 =	simm.s32 $_tile_overlayer_lowered  }
0x9c: {  	s22 =	simm.s32 $0x1BFF;
	s21 =	sshll.u32 s7, $0x1;
	s4 =	sadd.s32 s5, s19  }
0x9d: {  	s8 =	simm.s32 $0x0;
	s20 =	sshll.u32 s6, $0x1;
	s6 =	sadd.s32 s21, s4  }
0x9e: {  	[timem:s8], [sflag:s22] =	dma.local [hbm:s6], s20  }
0x9f: {  	_ =	swait.ge [sflag:s22], s20  }
0xa0: {  	s5 =	ssub.s32 $0x0, s20;
	[sflag:s22] =	ssyncset.done $0x0  }
0xa1: {  	[sflag:s22] =	ssyncadd.s32 s5;
	_ =	sdelay $0x1  }
0xa2: {  	s23 =	simm.s32 $0x1B8B  }
0xa3: {  	_ =	swait.ge [sflag:s23], $0x1  }
0xa4: {  	[sflag:s23] =	ssyncset.done $0x0  }
0xa5: {  	s25 =	simm.s32 $0x1B8E;
	s24 =	sld [smem:$0x3FFE];
	[sflag:s23] =	ssyncadd.s32 $0xFFFFFFFF  }
0xa6: {  	s26 =	simm.s32 $execute0_lowered;
	[smem:$0x3FD2] =	sst s25  }
0xa7: {  	s6 =	sshll.u32 s26, $0x1;
	_ =	strace $0x80000046;
	[dreg:$0x1] =	wrdreg $0xFFFFFFFF  }
0xa8: {  	s28 =	simm.s32 $_size_execute0_lowered;
	s4 =	sadd.s32 s4, s6;
	[dreg:$0x0] =	wrdreg $0x0  }
0xa9: {  	s6 =	sshll.u32 s28, $0x1;
	[dreg:$0x2] =	wrdreg s4  }
0xaa: {  	[dreg:$0x3] =	wrdreg s6  }
0xab: {  	[dreg:$0x4] =	wrdreg $0xC0  }
0xac: {  	_ =	task [dreg:s8], $0x5FFFF  }
0xad: {  	[dreg:$0x1] =	wrdreg $0xFFFFFFFF  }
0xae: {  	[dreg:$0x0] =	wrdreg $0x60  }
0xaf: {  	[dreg:$0x2] =	wrdreg s24  }
0xb0: {  	[dreg:$0x3] =	wrdreg s2  }
0xb1: {  	[dreg:$0x4] =	wrdreg s18  }
0xb2: {  	[dreg:$0x5] =	wrdreg $0x9  }
0xb3: {  	_ =	task.clear_ibuf [dreg:s8], $0x6FFFF;
	_ =	strace $0x90000046  }
0xb4: {  	s29 =	simm.s32 $0x9;
	_ =	strace $0x80000048  }
0xb5: {  	_ =	swait.ge [sflag:s29], $0x1  }
0xb6: {  	[sflag:s29] =	ssyncadd.s32 $0xFFFFFFFF  }
0xb7: {  	_ =	strace $0x90000048  }
0xb8: {  	_ =	sfence  }
0xb9: {  	s30 =	sld [smem:$0x0];
	_ =	sdelay $0x2  }
0xba: {  	s31 =	sshll.u32 s1, $0xD;
	s1 =	sshrl.u32 s1, $0x2  }
0xbb: {  	s3 =	sand.u32 $0x4000, s31;
	s1 =	sadd.s32 s1, s30  }
0xbc: {  	s0 =	sor.u32 s3, s0;
	s1 =	sshll.u32 s1, $0x11  }
0xbd: {  	s0 =	sor.u32 s1, s0  }
0xbe: {  	s0 =	sadd.s32 $0x8F2B, s0  }
0xbf: {  	[sflag:s0] =	ssyncadd.remote.s32 $0x1  }
0xc0: {  	_ =	sfence.sel $0xFFFF  }
0xc1: {  	[dreg:$0x0] =	wrdreg $0xFFFFFFFF;
	(pc) =	sbr.abs _section_cstart, $3  }
0xc2: {  	[dreg:$0x1] =	wrdreg $0xFFFFFFFF  }
0xc3: {  	_ =	task.clear_ibuf [dreg:s8], $0x2FFFF;
	_ =	strace $0x9FFFFFFF  }
0xc4: {  	(tm) =	ssettm $0x7FFFFFFF  }
0xc5: {  	_ =	shalt  }
tec
execute0_lowered:
.L_overlay_start_1:
0x0: {  	(tag) =	ssettag $0x1  }
0x1: {  	s0 =	rddreg [dreg:$0x0]  }
0x2: {  	s2 =	rddreg [dreg:$0x1];
	s1 =	srdreg.scid  }
0x3: {  	s9 =	stileid.u32;
	s4 =	rddreg [dreg:$0x2];
	s3 =	simm.s32 $0x0  }
0x4: {  	s15 =	simm.s32 $0xF;
	s16 =	simm.s32 $0x80;
	s28 =	simm.s32 $0x1  }
0x5: {  	s30 =	simm.s32 $0x19C00;
	s1 =	sand.u32 $0x1, s1;
	s5 =	sshll.u32 s9, $0x1  }
0x6: {  	s31 =	simm.s32 $0x2;
	s19 =	smul.u32 $0x32000, s9;
	s5 =	sor.u32 s1, s5  }
0x7: {  	s29 =	simm.s32 $0xB;
	[smem:$0x7FF] =	sst s3;
	s6 =	smul.u32 $0x380, s5  }
0x8: {  	s9 =	simm.s32 $0x0;
	s7 =	ssub.s32 $0x2, s1;
	s8 =	smul.u32 $0xC8000, s5  }
0x9: {  	_ =	strace $0x80000047;
	s17 =	sshrl.u32 s7, $0x1;
	s5 =	smul.u32 $0x19000, s5  }
0xa: {  	s1 =	smul.u32 $0x19000, s1;
	s0 =	sadd.s32 s6, s0;
	s6 =	ssub.s32 s7, s17  }
0xb: {  	s18 =	sshrl.u32 s8, $0x3;
	s5 =	sadd.s32 s4, s5;
	s17 =	simm.s32 $0x1C00  }
0xc: {  	s7 =	simm.s32 $0xD;
	s0 =	sadd.s32 $0x400, s0;
	[dreg:$0x5] =	wrdreg s5  }
0xd: {  	s26 =	smax.u32 s6, $0x1;
	[dreg:$0x4] =	wrdreg s0;
	s0 =	sadd.s32 s4, s18  }
0xe: {  	s8 =	simm.s32 $0xE;
	[dreg:$0xd] =	wrdreg s26;
	s20 =	sadd.s32 $0x15800, s0  }
0xf: {  	s5 =	simm.s32 $0xC;
	s21 =	sadd.s32 $0x16000, s0;
	[dreg:$0x6] =	wrdreg s20  }
0x10: {  	s6 =	simm.s32 $0x7;
	s22 =	sadd.s32 $0x16800, s0;
	[dreg:$0x7] =	wrdreg s21  }
0x11: {  	s4 =	sadd.s32 s19, s4;
	s23 =	sadd.s32 $0x17000, s0;
	[dreg:$0x8] =	wrdreg s22  }
0x12: {  	s18 =	simm.s32 $0x5C00;
	s24 =	sadd.s32 $0x17800, s0;
	[dreg:$0x9] =	wrdreg s23  }
0x13: {  	s26 =	simm.s32 $0x15C00;
	s25 =	sadd.s32 $0x18000, s0;
	[dreg:$0xa] =	wrdreg s24  }
0x14: {  	s19 =	simm.s32 $0x9;
	s0 =	sadd.s32 $0x18800, s0;
	[dreg:$0xb] =	wrdreg s25  }
0x15: {  	s1 =	sadd.s32 s1, s4;
	s4 =	simm.s32 $0x6;
	[dreg:$0xc] =	wrdreg s0  }
0x16: {  	s14 =	sadd.s32 $0x2000, s1;
	s20 =	simm.s32 $0x9C00;
	s22 =	simm.s32 $0xDC00  }
0x17: {  	s24 =	simm.s32 $0x11C00;
	s1 =	simm.s32 $0x8;
	s0 =	simm.s32 $0x3  }
0x18: {  	s21 =	simm.s32 $0x4;
	s23 =	simm.s32 $0xA;
	s25 =	simm.s32 $0x5  }
.LBB2_1:
0x19: {  	s10 =	rddreg [dreg:$0x4]  }
0x1a: {  	[tilespmem:s3], [sflag:$0xF] =	stream.linear.gather [hbm4b:s10+s3], $0x1900, $0x38;
	[tilespmem:$0x1DC00] =	vst v63  }
0x1b: {  	_ =	swait.ge [sflag:s15], $0x1900  }
0x1c: {  	[sflag:s15] =	ssyncset.done $0x0  }
0x1d: {  	[sflag:s15] =	ssyncadd.s32 $0xFFFFE700  }
0x1e: {  	[tilespmem:s17], [sflag:$0x1] =	stream.indirect.gather [hbm4b:s2+s16], $0x80, s3, s16, $0xb8;
	[tilespmem:$0x1DC00] =	vst v63  }
0x1f: {  	_ = 	snop  }
0x20: {  	[tilespmem:s18], [sflag:$0x2] =	stream.indirect.gather [hbm4b:s2+s16], $0x80, s16, s16, $0xb8;
	[tilespmem:$0x1DC00] =	vst v63  }
0x21: {  	s11 =	simm.s32 $0x100  }
0x22: {  	[tilespmem:s20], [sflag:$0x3] =	stream.indirect.gather [hbm4b:s2+s16], $0x80, s11, s16, $0xb8;
	[tilespmem:$0x1DC00] =	vst v63  }
0x23: {  	s12 =	simm.s32 $0x180  }
0x24: {  	[tilespmem:s22], [sflag:$0x4] =	stream.indirect.gather [hbm4b:s2+s16], $0x80, s12, s16, $0xb8;
	[tilespmem:$0x1DC00] =	vst v63  }
0x25: {  	s13 =	simm.s32 $0x200  }
0x26: {  	[tilespmem:s24], [sflag:$0x5] =	stream.indirect.gather [hbm4b:s2+s16], $0x80, s13, s16, $0xb8;
	[tilespmem:$0x1DC00] =	vst v63  }
0x27: {  	s11 =	simm.s32 $0x280  }
0x28: {  	[tilespmem:s26], [sflag:$0x6] =	stream.indirect.gather [hbm4b:s2+s16], $0x80, s11, s16, $0xb8;
	[tilespmem:$0x1DC00] =	vst v63  }
0x29: {  	_ =	swait.ge [sflag:s28], $0x4000  }
0x2a: {  	[sflag:s28] =	ssyncset.done $0x0  }
0x2b: {  	s12 =	rddreg [dreg:$0x5];
	[sflag:s28] =	ssyncadd.s32 $0xFFFFC000  }
0x2c: {  	[hbm4b:s12+s3] =	stream.linear.scatter [tilespmem:s17], [sflag:$0x8], $0x4000, $0x38;
	[tilespmem:$0x1DC00] =	vst v63  }
0x2d: {  	s13 =	simm.s32 $0x300  }
0x2e: {  	[tilespmem:s30], [sflag:$0x7] =	stream.indirect.gather [hbm4b:s2+s16], $0x80, s13, s16, $0xb8;
	[tilespmem:$0x1DC00] =	vst v63  }
0x2f: {  	_ =	swait.ge [sflag:s31], $0x4000  }
0x30: {  	[sflag:s31] =	ssyncset.done $0x0  }
0x31: {  	s11 =	sadd.s32 $0xFFFFE800, s14;
	[sflag:s31] =	ssyncadd.s32 $0xFFFFC000  }
0x32: {  	[hbm4b:s11+s3] =	stream.linear.scatter [tilespmem:s18], [sflag:$0x9], $0x4000, $0x38;
	[tilespmem:$0x1DC00] =	vst v63  }
0x33: {  	_ =	swait.ge [sflag:s1], $0x4000  }
0x34: {  	[sflag:s1] =	ssyncset.done $0x0  }
0x35: {  	s12 =	simm.s32 $0x380;
	[sflag:s1] =	ssyncadd.s32 $0xFFFFC000  }
0x36: {  	[tilespmem:s17], [sflag:$0x1] =	stream.indirect.gather [hbm4b:s2+s16], $0x80, s12, s16, $0xb8;
	[tilespmem:$0x1DC00] =	vst v63  }
0x37: {  	_ =	swait.ge [sflag:s0], $0x4000  }
0x38: {  	[sflag:s0] =	ssyncset.done $0x0  }
0x39: {  	s13 =	sadd.s32 $0xFFFFF000, s14;
	[sflag:s0] =	ssyncadd.s32 $0xFFFFC000  }
0x3a: {  	[hbm4b:s13+s3] =	stream.linear.scatter [tilespmem:s20], [sflag:$0xA], $0x4000, $0x38;
	[tilespmem:$0x1DC00] =	vst v63  }
0x3b: {  	_ =	swait.ge [sflag:s19], $0x4000  }
0x3c: {  	[sflag:s19] =	ssyncset.done $0x0  }
0x3d: {  	s11 =	simm.s32 $0x400;
	[sflag:s19] =	ssyncadd.s32 $0xFFFFC000  }
0x3e: {  	[tilespmem:s18], [sflag:$0x2] =	stream.indirect.gather [hbm4b:s2+s16], $0x80, s11, s16, $0xb8;
	[tilespmem:$0x1DC00] =	vst v63  }
0x3f: {  	_ =	swait.ge [sflag:s21], $0x4000  }
0x40: {  	[sflag:s21] =	ssyncset.done $0x0  }
0x41: {  	s12 =	sadd.s32 $0xFFFFF800, s14;
	[sflag:s21] =	ssyncadd.s32 $0xFFFFC000  }
0x42: {  	[hbm4b:s12+s3] =	stream.linear.scatter [tilespmem:s22], [sflag:$0xB], $0x4000, $0x38;
	[tilespmem:$0x1DC00] =	vst v63  }
0x43: {  	_ =	swait.ge [sflag:s23], $0x4000  }
0x44: {  	[sflag:s23] =	ssyncset.done $0x0  }
0x45: {  	s13 =	simm.s32 $0x480;
	[sflag:s23] =	ssyncadd.s32 $0xFFFFC000  }
0x46: {  	[tilespmem:s20], [sflag:$0x3] =	stream.indirect.gather [hbm4b:s2+s16], $0x80, s13, s16, $0xb8;
	[tilespmem:$0x1DC00] =	vst v63  }
0x47: {  	_ =	swait.ge [sflag:s25], $0x4000  }
0x48: {  	[sflag:s25] =	ssyncset.done $0x0  }
0x49: {  	[sflag:s25] =	ssyncadd.s32 $0xFFFFC000  }
0x4a: {  	[hbm4b:s14+s3] =	stream.linear.scatter [tilespmem:s24], [sflag:$0xC], $0x4000, $0x38;
	[tilespmem:$0x1DC00] =	vst v63  }
0x4b: {  	_ =	swait.ge [sflag:s29], $0x4000  }
0x4c: {  	[sflag:s29] =	ssyncset.done $0x0  }
0x4d: {  	s11 =	simm.s32 $0x500;
	[sflag:s29] =	ssyncadd.s32 $0xFFFFC000  }
0x4e: {  	[tilespmem:s22], [sflag:$0x4] =	stream.indirect.gather [hbm4b:s2+s16], $0x80, s11, s16, $0xb8;
	[tilespmem:$0x1DC00] =	vst v63  }
0x4f: {  	_ =	swait.ge [sflag:s4], $0x4000  }
0x50: {  	[sflag:s4] =	ssyncset.done $0x0  }
0x51: {  	s12 =	sadd.s32 $0x800, s14;
	[sflag:s4] =	ssyncadd.s32 $0xFFFFC000  }
0x52: {  	[hbm4b:s12+s3] =	stream.linear.scatter [tilespmem:s26], [sflag:$0xD], $0x4000, $0x38;
	[tilespmem:$0x1DC00] =	vst v63  }
0x53: {  	_ =	swait.ge [sflag:s5], $0x4000  }
0x54: {  	[sflag:s5] =	ssyncset.done $0x0  }
0x55: {  	s13 =	simm.s32 $0x580;
	[sflag:s5] =	ssyncadd.s32 $0xFFFFC000  }
0x56: {  	[tilespmem:s24], [sflag:$0x5] =	stream.indirect.gather [hbm4b:s2+s16], $0x80, s13, s16, $0xb8;
	[tilespmem:$0x1DC00] =	vst v63  }
0x57: {  	_ =	swait.ge [sflag:s6], $0x4000  }
0x58: {  	[sflag:s6] =	ssyncset.done $0x0  }
0x59: {  	s11 =	sadd.s32 $0x1000, s14;
	[sflag:s6] =	ssyncadd.s32 $0xFFFFC000  }
0x5a: {  	[hbm4b:s11+s3] =	stream.linear.scatter [tilespmem:s30], [sflag:$0xE], $0x4000, $0x38;
	[tilespmem:$0x1DC00] =	vst v63  }
0x5b: {  	_ =	swait.ge [sflag:s7], $0x4000  }
0x5c: {  	[sflag:s7] =	ssyncset.done $0x0  }
0x5d: {  	s12 =	simm.s32 $0x600;
	[sflag:s7] =	ssyncadd.s32 $0xFFFFC000  }
0x5e: {  	[tilespmem:s26], [sflag:$0x6] =	stream.indirect.gather [hbm4b:s2+s16], $0x80, s12, s16, $0xb8;
	[tilespmem:$0x1DC00] =	vst v63  }
0x5f: {  	_ =	swait.ge [sflag:s28], $0x4000  }
0x60: {  	[sflag:s28] =	ssyncset.done $0x0  }
0x61: {  	s13 =	sadd.s32 $0x1800, s14;
	[sflag:s28] =	ssyncadd.s32 $0xFFFFC000  }
0x62: {  	[hbm4b:s13+s3] =	stream.linear.scatter [tilespmem:s17], [sflag:$0x8], $0x4000, $0x38;
	[tilespmem:$0x1DC00] =	vst v63  }
0x63: {  	_ =	swait.ge [sflag:s8], $0x4000  }
0x64: {  	s10 =	simm.s32 $0xE00;
	[sflag:s8] =	ssyncset.done $0x0  }
0x65: {  	s11 =	sadd.s32 $0x3800, s14;
	s12 =	simm.s32 $0x680;
	[sflag:s8] =	ssyncadd.s32 $0xFFFFC000  }
.LBB2_2:
0x66: {  	[tilespmem:s30], [sflag:$0x7] =	stream.indirect.gather [hbm4b:s2+s16], $0x80, s12, s16, $0xb8;
	[tilespmem:$0x1DC00] =	vst v63  }
0x67: {  	s12 =	smov.u32 s10  }
0x68: {  	p0 =	sne.s32 s10, $0x4600;
	s10 =	sadd.s32 $0xE00, s10;
	_ =	swait.ge [sflag:s31], $0x4000  }
0x69: {  	[sflag:s31] =	ssyncset.done $0x0  }
0x6a: {  	s13 =	sadd.s32 $0xFFFFE800, s11;
	[sflag:s31] =	ssyncadd.s32 $0xFFFFC000  }
0x6b: {  	[hbm4b:s13+s3] =	stream.linear.scatter [tilespmem:s18], [sflag:$0x9], $0x4000, $0x38;
	[tilespmem:$0x1DC00] =	vst v63  }
0x6c: {  	_ =	swait.ge [sflag:s1], $0x4000  }
0x6d: {  	s12 =	sshra.s32 s12, $0x2;
	[sflag:s1] =	ssyncset.done $0x0  }
0x6e: {  	s13 =	sadd.s32 $0x380, s12;
	[sflag:s1] =	ssyncadd.s32 $0xFFFFC000  }
0x6f: {  	[tilespmem:s17], [sflag:$0x1] =	stream.indirect.gather [hbm4b:s2+s16], $0x80, s13, s16, $0xb8;
	[tilespmem:$0x1DC00] =	vst v63  }
0x70: {  	_ =	swait.ge [sflag:s0], $0x4000  }
0x71: {  	[sflag:s0] =	ssyncset.done $0x0  }
0x72: {  	s13 =	sadd.s32 $0xFFFFF000, s11;
	[sflag:s0] =	ssyncadd.s32 $0xFFFFC000  }
0x73: {  	[hbm4b:s13+s3] =	stream.linear.scatter [tilespmem:s20], [sflag:$0xA], $0x4000, $0x38;
	[tilespmem:$0x1DC00] =	vst v63  }
0x74: {  	_ =	swait.ge [sflag:s19], $0x4000  }
0x75: {  	[sflag:s19] =	ssyncset.done $0x0  }
0x76: {  	s13 =	sadd.s32 $0x400, s12;
	[sflag:s19] =	ssyncadd.s32 $0xFFFFC000  }
0x77: {  	[tilespmem:s18], [sflag:$0x2] =	stream.indirect.gather [hbm4b:s2+s16], $0x80, s13, s16, $0xb8;
	[tilespmem:$0x1DC00] =	vst v63  }
0x78: {  	_ =	swait.ge [sflag:s21], $0x4000  }
0x79: {  	[sflag:s21] =	ssyncset.done $0x0  }
0x7a: {  	s13 =	sadd.s32 $0xFFFFF800, s11;
	[sflag:s21] =	ssyncadd.s32 $0xFFFFC000  }
0x7b: {  	[hbm4b:s13+s3] =	stream.linear.scatter [tilespmem:s22], [sflag:$0xB], $0x4000, $0x38;
	[tilespmem:$0x1DC00] =	vst v63  }
0x7c: {  	_ =	swait.ge [sflag:s23], $0x4000  }
0x7d: {  	[sflag:s23] =	ssyncset.done $0x0  }
0x7e: {  	s13 =	sadd.s32 $0x480, s12;
	[sflag:s23] =	ssyncadd.s32 $0xFFFFC000  }
0x7f: {  	[tilespmem:s20], [sflag:$0x3] =	stream.indirect.gather [hbm4b:s2+s16], $0x80, s13, s16, $0xb8;
	[tilespmem:$0x1DC00] =	vst v63  }
0x80: {  	_ =	swait.ge [sflag:s25], $0x4000  }
0x81: {  	[sflag:s25] =	ssyncset.done $0x0  }
0x82: {  	[sflag:s25] =	ssyncadd.s32 $0xFFFFC000  }
0x83: {  	[hbm4b:s11+s3] =	stream.linear.scatter [tilespmem:s24], [sflag:$0xC], $0x4000, $0x38;
	[tilespmem:$0x1DC00] =	vst v63  }
0x84: {  	_ =	swait.ge [sflag:s29], $0x4000  }
0x85: {  	[sflag:s29] =	ssyncset.done $0x0  }
0x86: {  	s13 =	sadd.s32 $0x500, s12;
	[sflag:s29] =	ssyncadd.s32 $0xFFFFC000  }
0x87: {  	[tilespmem:s22], [sflag:$0x4] =	stream.indirect.gather [hbm4b:s2+s16], $0x80, s13, s16, $0xb8;
	[tilespmem:$0x1DC00] =	vst v63  }
0x88: {  	_ =	swait.ge [sflag:s4], $0x4000  }
0x89: {  	[sflag:s4] =	ssyncset.done $0x0  }
0x8a: {  	s13 =	sadd.s32 $0x800, s11;
	[sflag:s4] =	ssyncadd.s32 $0xFFFFC000  }
0x8b: {  	[hbm4b:s13+s3] =	stream.linear.scatter [tilespmem:s26], [sflag:$0xD], $0x4000, $0x38;
	[tilespmem:$0x1DC00] =	vst v63  }
0x8c: {  	_ =	swait.ge [sflag:s5], $0x4000  }
0x8d: {  	[sflag:s5] =	ssyncset.done $0x0  }
0x8e: {  	s13 =	sadd.s32 $0x580, s12;
	[sflag:s5] =	ssyncadd.s32 $0xFFFFC000  }
0x8f: {  	[tilespmem:s24], [sflag:$0x5] =	stream.indirect.gather [hbm4b:s2+s16], $0x80, s13, s16, $0xb8;
	[tilespmem:$0x1DC00] =	vst v63  }
0x90: {  	_ =	swait.ge [sflag:s6], $0x4000  }
0x91: {  	[sflag:s6] =	ssyncset.done $0x0  }
0x92: {  	s13 =	sadd.s32 $0x1000, s11;
	[sflag:s6] =	ssyncadd.s32 $0xFFFFC000  }
0x93: {  	[hbm4b:s13+s3] =	stream.linear.scatter [tilespmem:s30], [sflag:$0xE], $0x4000, $0x38;
	[tilespmem:$0x1DC00] =	vst v63  }
0x94: {  	_ =	swait.ge [sflag:s7], $0x4000  }
0x95: {  	[sflag:s7] =	ssyncset.done $0x0  }
0x96: {  	s13 =	sadd.s32 $0x600, s12;
	[sflag:s7] =	ssyncadd.s32 $0xFFFFC000  }
0x97: {  	[tilespmem:s26], [sflag:$0x6] =	stream.indirect.gather [hbm4b:s2+s16], $0x80, s13, s16, $0xb8;
	[tilespmem:$0x1DC00] =	vst v63  }
0x98: {  	_ =	swait.ge [sflag:s28], $0x4000  }
0x99: {  	[sflag:s28] =	ssyncset.done $0x0  }
.Ltmp0:
0x9a: {  	s13 =	sadd.s32 $0x1800, s11;
	[sflag:s28] =	ssyncadd.s32 $0xFFFFC000;
	(pc) =	sbr.rel @p0 .LBB2_2-.Ltmp0, $4  }
0x9b: {  	[hbm4b:s13+s3] =	stream.linear.scatter [tilespmem:s17], [sflag:$0x8], $0x4000, $0x38;
	[tilespmem:$0x1DC00] =	vst v63  }
0x9c: {  	_ =	swait.ge [sflag:s8], $0x4000  }
0x9d: {  	[sflag:s8] =	ssyncset.done $0x0  }
0x9e: {  	s12 =	sadd.s32 $0x680, s12;
	s11 =	sadd.s32 $0x3800, s11;
	[sflag:s8] =	ssyncadd.s32 $0xFFFFC000  }
0x9f: {  	[tilespmem:s30], [sflag:$0x7] =	stream.indirect.gather [hbm4b:s2+s16], $0x80, s12, s16, $0xb8;
	[tilespmem:$0x1DC00] =	vst v63  }
0xa0: {  	_ =	swait.ge [sflag:s31], $0x4000  }
0xa1: {  	[sflag:s31] =	ssyncset.done $0x0  }
0xa2: {  	s10 =	rddreg [dreg:$0x6];
	[sflag:s31] =	ssyncadd.s32 $0xFFFFC000  }
0xa3: {  	[hbm4b:s10+s3] =	stream.linear.scatter [tilespmem:s18], [sflag:$0x9], $0x4000, $0x38;
	[tilespmem:$0x1DC00] =	vst v63  }
0xa4: {  	_ =	swait.ge [sflag:s1], $0x4000  }
0xa5: {  	[sflag:s1] =	ssyncset.done $0x0  }
0xa6: {  	s12 =	simm.s32 $0x1880;
	[sflag:s1] =	ssyncadd.s32 $0xFFFFC000  }
0xa7: {  	[tilespmem:s17], [sflag:$0x1] =	stream.indirect.gather [hbm4b:s2+s16], $0x80, s12, s16, $0xb8;
	[tilespmem:$0x1DC00] =	vst v63  }
0xa8: {  	_ =	swait.ge [sflag:s0], $0x4000  }
0xa9: {  	[sflag:s0] =	ssyncset.done $0x0  }
0xaa: {  	s13 =	rddreg [dreg:$0x7];
	[sflag:s0] =	ssyncadd.s32 $0xFFFFC000  }
0xab: {  	[hbm4b:s13+s3] =	stream.linear.scatter [tilespmem:s20], [sflag:$0xA], $0x4000, $0x38;
	[tilespmem:$0x1DC00] =	vst v63  }
0xac: {  	_ =	swait.ge [sflag:s21], $0x4000  }
0xad: {  	[sflag:s21] =	ssyncset.done $0x0  }
0xae: {  	s11 =	rddreg [dreg:$0x8];
	[sflag:s21] =	ssyncadd.s32 $0xFFFFC000  }
0xaf: {  	[hbm4b:s11+s3] =	stream.linear.scatter [tilespmem:s22], [sflag:$0xB], $0x4000, $0x38;
	[tilespmem:$0x1DC00] =	vst v63  }
0xb0: {  	_ =	swait.ge [sflag:s25], $0x4000  }
0xb1: {  	[sflag:s25] =	ssyncset.done $0x0  }
0xb2: {  	s12 =	rddreg [dreg:$0x9];
	[sflag:s25] =	ssyncadd.s32 $0xFFFFC000  }
0xb3: {  	[hbm4b:s12+s3] =	stream.linear.scatter [tilespmem:s24], [sflag:$0xC], $0x4000, $0x38;
	[tilespmem:$0x1DC00] =	vst v63  }
0xb4: {  	_ =	swait.ge [sflag:s4], $0x4000  }
0xb5: {  	[sflag:s4] =	ssyncset.done $0x0  }
0xb6: {  	s13 =	rddreg [dreg:$0xa];
	[sflag:s4] =	ssyncadd.s32 $0xFFFFC000  }
0xb7: {  	[hbm4b:s13+s3] =	stream.linear.scatter [tilespmem:s26], [sflag:$0xD], $0x4000, $0x38;
	[tilespmem:$0x1DC00] =	vst v63  }
0xb8: {  	_ =	swait.ge [sflag:s6], $0x4000  }
0xb9: {  	[sflag:s6] =	ssyncset.done $0x0  }
0xba: {  	s11 =	rddreg [dreg:$0xb];
	[sflag:s6] =	ssyncadd.s32 $0xFFFFC000  }
0xbb: {  	[hbm4b:s11+s3] =	stream.linear.scatter [tilespmem:s30], [sflag:$0xE], $0x4000, $0x38;
	[tilespmem:$0x1DC00] =	vst v63  }
0xbc: {  	_ =	swait.ge [sflag:s28], $0x4000  }
0xbd: {  	[sflag:s28] =	ssyncset.done $0x0  }
0xbe: {  	s12 =	rddreg [dreg:$0xc];
	[sflag:s28] =	ssyncadd.s32 $0xFFFFC000  }
0xbf: {  	[hbm4b:s12+s3] =	stream.linear.scatter [tilespmem:s17], [sflag:$0x8], $0x4000, $0x38;
	[tilespmem:$0x1DC00] =	vst v63  }
0xc0: {  	_ =	swait.ge [sflag:s19], $0x4000  }
0xc1: {  	[sflag:s19] =	ssyncset.done $0x0  }
0xc2: {  	[sflag:s19] =	ssyncadd.s32 $0xFFFFC000  }
0xc3: {  	_ =	swait.ge [sflag:s23], $0x4000  }
0xc4: {  	[sflag:s23] =	ssyncset.done $0x0  }
0xc5: {  	[sflag:s23] =	ssyncadd.s32 $0xFFFFC000  }
0xc6: {  	_ =	swait.ge [sflag:s29], $0x4000  }
0xc7: {  	[sflag:s29] =	ssyncset.done $0x0  }
0xc8: {  	[sflag:s29] =	ssyncadd.s32 $0xFFFFC000  }
0xc9: {  	_ =	swait.ge [sflag:s5], $0x4000  }
0xca: {  	[sflag:s5] =	ssyncset.done $0x0  }
0xcb: {  	[sflag:s5] =	ssyncadd.s32 $0xFFFFC000  }
0xcc: {  	_ =	swait.ge [sflag:s7], $0x4000  }
0xcd: {  	[sflag:s7] =	ssyncset.done $0x0  }
0xce: {  	[sflag:s7] =	ssyncadd.s32 $0xFFFFC000  }
0xcf: {  	_ =	swait.ge [sflag:s8], $0x4000  }
0xd0: {  	[sflag:s8] =	ssyncset.done $0x0  }
0xd1: {  	[sflag:s8] =	ssyncadd.s32 $0xFFFFC000  }
0xd2: {  	_ =	swait.ge [sflag:s1], $0x4000  }
0xd3: {  	s9 =	sadd.s32 $0x1, s9;
	s13 =	rddreg [dreg:$0xd]  }
0xd4: {  	p0 =	sne.s32 s9, s13  }
.Ltmp1:
0xd5: {  	_ = 	snop;
	(pc) =	sbr.rel @p0 .LBB2_1-.Ltmp1, $3  }
0xd6: {  	_ =	sdelay $0x1  }
0xd7: {  	[sflag:s1] =	ssyncset.done $0x0  }
0xd8: {  	[sflag:s1] =	ssyncadd.s32 $0xFFFFC000  }
0xd9: {  	_ =	sfence.sel $0x180000  }
0xda: {  	[bflag:$0x0] =	sbarrier.arrive $0xFFFF  }
0xdb: {  	_ =	strace $0x90000047  }
0xdc: {  	s0 =	stileid.u32;
	[bflag:$0x2] =	sbarrier.arrive $0xFFFF  }
0xdd: {  	p0 =	sne.s32 s0, $0x0;
	s0 =	rddreg [dreg:$0x3]  }
0xde: {  	s0 =	sadd.s32 @!p0 $0x100000, s0  }
0xdf: {  	[sflag:s0] =	ssyncadd.tile.s32 @!p0 $0x1;
	_ =	shalt  }
.Lfunc_end2:
_tile_overlayer_lowered:
.L_overlay_start_2:
0xe0: {  	(tag) =	ssettag $0x2  }
0xe1: {  	s0 =	rddreg [dreg:$0x0];
	s2 =	stileid.u32  }
0xe2: {  	s1 =	rddreg [dreg:$0x1];
	p0 =	sne.s32 s2, $0x0  }
0xe3: {  	s3 =	rddreg [dreg:$0x2];
	[bflag:$0x3] =	sbarrier.arrive $0xFFFF;
	s2 =	simm.s32 @!p0 $0x1C0F  }
0xe4: {  	[timem:s3], [sflag:s2] =	dma.local @!p0 [hbm:s0], s1  }
0xe5: {  	s0 =	simm.s32 @!p0 $0xF  }
0xe6: {  	_ =	swait.ge @!p0 [sflag:s0], s1  }
0xe7: {  	s1 =	ssub.s32 @!p0 $0x0, s1;
	[sflag:s0] =	ssyncset.done @!p0 $0x0  }
0xe8: {  	[sflag:s0] =	ssyncadd.s32 @!p0 s1  }
0xe9: {  	[bflag:$0x3] =	sbarrier.arrive $0xFFFF  }
0xea: {  	_ =	shalt  }

</sc_bundles>
